<compile_context>
chip_gen: v7x
topology: tpu7x:2x2x1
jax: 0.10.2.dev20260603
libtpu: 0.0.44.dev20260713+nightly
codegen_flags: <defaults>
</compile_context>

<pallas_src>
import functools

import jax
import jax.numpy as jnp
from jax import lax
from jax.experimental import pallas as pl
from jax.experimental.pallas import tpu as pltpu
from jax.experimental.pallas import tpu_sc as plsc

NTOKEN = 1000000
NINP = 64
SEQ = 50
BATCH = 4096

NC = 2
NS = 16
NW = NC * NS
GW = BATCH // NW
NG = 5
NGROUP = SEQ // NG


def _body(table_hbm, inp_hbm, out_hbm, idx_v, rows0, rows1, gsem0, gsem1,
          wsem0, wsem1):
    wid = lax.axis_index("s") * NC + lax.axis_index("c")
    b0 = wid * GW

    pltpu.sync_copy(inp_hbm.at[:, pl.ds(b0, GW)], idx_v)

    def fire(g, rows, gsem):
        for j in range(NG):
            pltpu.async_copy(
                table_hbm.at[idx_v.at[g * NG + j]],
                rows.at[pl.ds(j * GW, GW)],
                gsem,
            )

    def drain_gathers(rows, gsem):
        pltpu.make_async_copy(
            table_hbm.at[pl.ds(0, NG * GW)], rows, gsem).wait()

    def write(g, rows, wsem):
        for j in range(NG):
            pltpu.async_copy(
                rows.at[pl.ds(j * GW, GW)],
                out_hbm.at[pl.ds(b0, GW), pl.ds((g * NG + j) * NINP, NINP)],
                wsem,
            )

    def drain_writes(rows, wsem):
        for j in range(NG):
            pltpu.make_async_copy(
                rows.at[pl.ds(j * GW, GW)],
                out_hbm.at[pl.ds(b0, GW), pl.ds(j * NINP, NINP)],
                wsem,
            ).wait()

    fire(0, rows0, gsem0)
    fire(1, rows1, gsem1)

    def loop_body(i, carry):
        s = i * 2
        drain_gathers(rows0, gsem0)
        write(s, rows0, wsem0)
        drain_gathers(rows1, gsem1)
        write(s + 1, rows1, wsem1)
        drain_writes(rows0, wsem0)
        fire(s + 2, rows0, gsem0)
        drain_writes(rows1, wsem1)
        fire(s + 3, rows1, gsem1)
        return carry

    lax.fori_loop(0, (NGROUP - 2) // 2, loop_body, 0)

    drain_gathers(rows0, gsem0)
    write(NGROUP - 2, rows0, wsem0)
    drain_gathers(rows1, gsem1)
    write(NGROUP - 1, rows1, wsem1)
    drain_writes(rows0, wsem0)
    drain_writes(rows1, wsem1)


_mesh = plsc.VectorSubcoreMesh(core_axis_name="c", subcore_axis_name="s")

_lookup = functools.partial(
    pl.kernel,
    mesh=_mesh,
    compiler_params=pltpu.CompilerParams(use_tc_tiling_on_sc=False),
    out_type=jax.ShapeDtypeStruct((BATCH, SEQ * NINP), jnp.float32),
    scratch_types=[
        pltpu.VMEM((SEQ, GW), jnp.int32),
        pltpu.VMEM((NG * GW, NINP), jnp.float32),
        pltpu.VMEM((NG * GW, NINP), jnp.float32),
        pltpu.SemaphoreType.DMA,
        pltpu.SemaphoreType.DMA,
        pltpu.SemaphoreType.DMA,
        pltpu.SemaphoreType.DMA,
    ],
)(_body)


def kernel(inp, table, hidden):
    return _lookup(table, inp)

# --- scband reference (transcript-rebuilt; emitter-appended) ---
"""Pipeline reference for scband-mlp-37400575213982 (READ-ONLY COPY).

The authoritative reference and input builder live on the scoring server;
editing this copy changes nothing except your own understanding.
"""

import jax, jax.numpy as jnp
import numpy as np

NTOKEN = 1000000
NINP = 64
SEQ = 50
BATCH = 4096


def setup_inputs(seed: int = 0) -> dict:
    key = jax.random.key(seed)
    k1, k2 = jax.random.split(key)
    inp = jax.random.randint(k1, (SEQ, BATCH), 0, NTOKEN, dtype=jnp.int32)
    table = jax.random.normal(k2, (NTOKEN, NINP), dtype=jnp.float32)
    # padding_idx=0 -> row 0 is zeros in torch's nn.Embedding
    table = table.at[0].set(0.0)
    return {"inp": inp, "table": table, "hidden": 0}


def reference(inp, table, hidden=0):
    # emb = self.embedding(inp)  -> [SEQ, BATCH, NINP]
    emb = jnp.take(table, inp, axis=0)
    # .permute(1, 0, 2).contiguous() -> [BATCH, SEQ, NINP]
    emb = jnp.transpose(emb, (1, 0, 2))
    # outp = emb.view(size[0], -1) -> [BATCH, SEQ * NINP]
    outp = emb.reshape(emb.shape[0], -1)
    # original returns (outp, None); return the array output
    return outp

if __name__ == "__main__":
    import jax
    _d = setup_inputs()
    print(jax.jit(kernel)(*tuple(_d.values())))

</pallas_src>

<mosaic_0001>
#map = affine_map<(d0, d1) -> (0, 0)>
module attributes {stable_mosaic.version = 14 : i64} {
  func.func @_body(%arg0: i32, %arg1: i32, %arg2: memref<1000000x64xf32, #tpu.memory_space<hbm>>, %arg3: memref<50x4096xi32, #tpu.memory_space<hbm>>, %arg4: memref<4096x3200xf32, #tpu.memory_space<hbm>>, %arg5: memref<50x128xi32, #tpu.memory_space<vmem>>, %arg6: memref<640x64xf32, #tpu.memory_space<vmem>>, %arg7: memref<640x64xf32, #tpu.memory_space<vmem>>, %arg8: memref<!tpu.dma_semaphore, #tpu.memory_space<semaphore_mem>>, %arg9: memref<!tpu.dma_semaphore, #tpu.memory_space<semaphore_mem>>, %arg10: memref<!tpu.dma_semaphore, #tpu.memory_space<semaphore_mem>>, %arg11: memref<!tpu.dma_semaphore, #tpu.memory_space<semaphore_mem>>) attributes {dimension_semantics = [#tpu.dimension_semantics<core_parallel>, #tpu.dimension_semantics<subcore_parallel>], iteration_bounds = array<i64: 2, 16>, scalar_prefetch = 0 : i64, scratch_operands = 7 : i64, tpu.core_type = #tpu.core_type<sc_vector_subcore>, window_params = [{transform_indices = #map}, {transform_indices = #map}, {transform_indices = #map}]} {
    %mul3A = arith.constant 2 : i32
    %mul3A_0 = arith.muli %arg1, %mul3A : i32
    %add3A = arith.addi %mul3A_0, %arg0 : i32
    %mul3A_1 = arith.constant 128 : i32
    %mul3A_2 = arith.muli %add3A, %mul3A_1 : i32
    "tpu.region"() ({
      %run_scoped3A = tpu.sem_alloc : memref<!tpu.dma_semaphore, #tpu.memory_space<semaphore_mem>>
      %dma_start3A_318 = arith.constant 0 : i32
      %dma_start3A_319 = tpu.memref_slice %arg3[%dma_start3A_318, %mul3A_2] : memref<50x4096xi32, #tpu.memory_space<hbm>> -> memref<50x128xi32, #tpu.memory_space<hbm>>
      %dma_start3A_320 = arith.constant 0 : i32
      %dma_start3A_321 = tpu.memref_slice %arg3[%dma_start3A_320, %mul3A_2] : memref<50x4096xi32, #tpu.memory_space<hbm>> -> memref<50x128xi32, #tpu.memory_space<hbm>>
      tpu.enqueue_dma source(%dma_start3A_321 : memref<50x128xi32, #tpu.memory_space<hbm>>) target(%arg5 : memref<50x128xi32, #tpu.memory_space<vmem>>) target_semaphore(%run_scoped3A : memref<!tpu.dma_semaphore, #tpu.memory_space<semaphore_mem>>)
      %dma_wait3A_322 = arith.constant 0 : i32
      %dma_wait3A_323 = tpu.memref_slice %arg3[%dma_wait3A_322, %mul3A_2] : memref<50x4096xi32, #tpu.memory_space<hbm>> -> memref<50x128xi32, #tpu.memory_space<hbm>>
      %dma_wait3A_324 = arith.constant 0 : i32
      %dma_wait3A_325 = tpu.memref_slice %arg3[%dma_wait3A_324, %mul3A_2] : memref<50x4096xi32, #tpu.memory_space<hbm>> -> memref<50x128xi32, #tpu.memory_space<hbm>>
      tpu.wait_dma2 semaphore(%run_scoped3A : memref<!tpu.dma_semaphore, #tpu.memory_space<semaphore_mem>>) src(%dma_wait3A_325 : memref<50x128xi32, #tpu.memory_space<hbm>>) dst(%arg5 : memref<50x128xi32, #tpu.memory_space<vmem>>)
      tpu.yield
    }) : () -> ()
    %dma_start3A = arith.constant 0 : i32
    %dma_start3A_3 = arith.constant 0 : i32
    %dma_start3A_4 = arith.constant 0 : i32
    %dma_start3A_5 = tpu.memref_slice %arg6[%dma_start3A_3, %dma_start3A_4] : memref<640x64xf32, #tpu.memory_space<vmem>> -> memref<128x64xf32, #tpu.memory_space<vmem>>
    %dma_start3A_6 = arith.constant 0 : i32
    %dma_start3A_7 = tpu.memref_slice %arg5[%dma_start3A, %dma_start3A_6] : memref<50x128xi32, #tpu.memory_space<vmem>> -> memref<1x128xi32, #tpu.memory_space<vmem>>
    %dma_start3A_8 = tpu.memref_squeeze %dma_start3A_7 : memref<1x128xi32, #tpu.memory_space<vmem>> -> memref<128xi32, #tpu.memory_space<vmem>>
    %dma_start3A_9 = arith.constant 0 : i32
    %dma_start3A_10 = arith.constant 0 : i32
    %dma_start3A_11 = tpu.memref_slice %arg2[%dma_start3A_9, %dma_start3A_10] : memref<1000000x64xf32, #tpu.memory_space<hbm>> -> memref<1000000x64xf32, #tpu.memory_space<hbm>>
    tpu.enqueue_indirect_dma source(%dma_start3A_11 : memref<1000000x64xf32, #tpu.memory_space<hbm>>) target(%dma_start3A_5 : memref<128x64xf32, #tpu.memory_space<vmem>>) offsets(%dma_start3A_8 : memref<128xi32, #tpu.memory_space<vmem>>) semaphore(%arg8 : memref<!tpu.dma_semaphore, #tpu.memory_space<semaphore_mem>>)
    %dma_start3A_12 = arith.constant 1 : i32
    %dma_start3A_13 = arith.constant 128 : i32
    %dma_start3A_14 = arith.constant 0 : i32
    %dma_start3A_15 = tpu.memref_slice %arg6[%dma_start3A_13, %dma_start3A_14] : memref<640x64xf32, #tpu.memory_space<vmem>> -> memref<128x64xf32, #tpu.memory_space<vmem>>
    %dma_start3A_16 = arith.constant 0 : i32
    %dma_start3A_17 = tpu.memref_slice %arg5[%dma_start3A_12, %dma_start3A_16] : memref<50x128xi32, #tpu.memory_space<vmem>> -> memref<1x128xi32, #tpu.memory_space<vmem>>
    %dma_start3A_18 = tpu.memref_squeeze %dma_start3A_17 : memref<1x128xi32, #tpu.memory_space<vmem>> -> memref<128xi32, #tpu.memory_space<vmem>>
    %dma_start3A_19 = arith.constant 0 : i32
    %dma_start3A_20 = arith.constant 0 : i32
    %dma_start3A_21 = tpu.memref_slice %arg2[%dma_start3A_19, %dma_start3A_20] : memref<1000000x64xf32, #tpu.memory_space<hbm>> -> memref<1000000x64xf32, #tpu.memory_space<hbm>>
    tpu.enqueue_indirect_dma source(%dma_start3A_21 : memref<1000000x64xf32, #tpu.memory_space<hbm>>) target(%dma_start3A_15 : memref<128x64xf32, #tpu.memory_space<vmem>>) offsets(%dma_start3A_18 : memref<128xi32, #tpu.memory_space<vmem>>) semaphore(%arg8 : memref<!tpu.dma_semaphore, #tpu.memory_space<semaphore_mem>>)
    %dma_start3A_22 = arith.constant 2 : i32
    %dma_start3A_23 = arith.constant 256 : i32
    %dma_start3A_24 = arith.constant 0 : i32
    %dma_start3A_25 = tpu.memref_slice %arg6[%dma_start3A_23, %dma_start3A_24] : memref<640x64xf32, #tpu.memory_space<vmem>> -> memref<128x64xf32, #tpu.memory_space<vmem>>
    %dma_start3A_26 = arith.constant 0 : i32
    %dma_start3A_27 = tpu.memref_slice %arg5[%dma_start3A_22, %dma_start3A_26] : memref<50x128xi32, #tpu.memory_space<vmem>> -> memref<1x128xi32, #tpu.memory_space<vmem>>
    %dma_start3A_28 = tpu.memref_squeeze %dma_start3A_27 : memref<1x128xi32, #tpu.memory_space<vmem>> -> memref<128xi32, #tpu.memory_space<vmem>>
    %dma_start3A_29 = arith.constant 0 : i32
    %dma_start3A_30 = arith.constant 0 : i32
    %dma_start3A_31 = tpu.memref_slice %arg2[%dma_start3A_29, %dma_start3A_30] : memref<1000000x64xf32, #tpu.memory_space<hbm>> -> memref<1000000x64xf32, #tpu.memory_space<hbm>>
    tpu.enqueue_indirect_dma source(%dma_start3A_31 : memref<1000000x64xf32, #tpu.memory_space<hbm>>) target(%dma_start3A_25 : memref<128x64xf32, #tpu.memory_space<vmem>>) offsets(%dma_start3A_28 : memref<128xi32, #tpu.memory_space<vmem>>) semaphore(%arg8 : memref<!tpu.dma_semaphore, #tpu.memory_space<semaphore_mem>>)
    %dma_start3A_32 = arith.constant 3 : i32
    %dma_start3A_33 = arith.constant 384 : i32
    %dma_start3A_34 = arith.constant 0 : i32
    %dma_start3A_35 = tpu.memref_slice %arg6[%dma_start3A_33, %dma_start3A_34] : memref<640x64xf32, #tpu.memory_space<vmem>> -> memref<128x64xf32, #tpu.memory_space<vmem>>
    %dma_start3A_36 = arith.constant 0 : i32
    %dma_start3A_37 = tpu.memref_slice %arg5[%dma_start3A_32, %dma_start3A_36] : memref<50x128xi32, #tpu.memory_space<vmem>> -> memref<1x128xi32, #tpu.memory_space<vmem>>
    %dma_start3A_38 = tpu.memref_squeeze %dma_start3A_37 : memref<1x128xi32, #tpu.memory_space<vmem>> -> memref<128xi32, #tpu.memory_space<vmem>>
    %dma_start3A_39 = arith.constant 0 : i32
    %dma_start3A_40 = arith.constant 0 : i32
    %dma_start3A_41 = tpu.memref_slice %arg2[%dma_start3A_39, %dma_start3A_40] : memref<1000000x64xf32, #tpu.memory_space<hbm>> -> memref<1000000x64xf32, #tpu.memory_space<hbm>>
    tpu.enqueue_indirect_dma source(%dma_start3A_41 : memref<1000000x64xf32, #tpu.memory_space<hbm>>) target(%dma_start3A_35 : memref<128x64xf32, #tpu.memory_space<vmem>>) offsets(%dma_start3A_38 : memref<128xi32, #tpu.memory_space<vmem>>) semaphore(%arg8 : memref<!tpu.dma_semaphore, #tpu.memory_space<semaphore_mem>>)
    %dma_start3A_42 = arith.constant 4 : i32
    %dma_start3A_43 = arith.constant 512 : i32
    %dma_start3A_44 = arith.constant 0 : i32
    %dma_start3A_45 = tpu.memref_slice %arg6[%dma_start3A_43, %dma_start3A_44] : memref<640x64xf32, #tpu.memory_space<vmem>> -> memref<128x64xf32, #tpu.memory_space<vmem>>
    %dma_start3A_46 = arith.constant 0 : i32
    %dma_start3A_47 = tpu.memref_slice %arg5[%dma_start3A_42, %dma_start3A_46] : memref<50x128xi32, #tpu.memory_space<vmem>> -> memref<1x128xi32, #tpu.memory_space<vmem>>
    %dma_start3A_48 = tpu.memref_squeeze %dma_start3A_47 : memref<1x128xi32, #tpu.memory_space<vmem>> -> memref<128xi32, #tpu.memory_space<vmem>>
    %dma_start3A_49 = arith.constant 0 : i32
    %dma_start3A_50 = arith.constant 0 : i32
    %dma_start3A_51 = tpu.memref_slice %arg2[%dma_start3A_49, %dma_start3A_50] : memref<1000000x64xf32, #tpu.memory_space<hbm>> -> memref<1000000x64xf32, #tpu.memory_space<hbm>>
    tpu.enqueue_indirect_dma source(%dma_start3A_51 : memref<1000000x64xf32, #tpu.memory_space<hbm>>) target(%dma_start3A_45 : memref<128x64xf32, #tpu.memory_space<vmem>>) offsets(%dma_start3A_48 : memref<128xi32, #tpu.memory_space<vmem>>) semaphore(%arg8 : memref<!tpu.dma_semaphore, #tpu.memory_space<semaphore_mem>>)
    %dma_start3A_52 = arith.constant 5 : i32
    %dma_start3A_53 = arith.constant 0 : i32
    %dma_start3A_54 = arith.constant 0 : i32
    %dma_start3A_55 = tpu.memref_slice %arg7[%dma_start3A_53, %dma_start3A_54] : memref<640x64xf32, #tpu.memory_space<vmem>> -> memref<128x64xf32, #tpu.memory_space<vmem>>
    %dma_start3A_56 = arith.constant 0 : i32
    %dma_start3A_57 = tpu.memref_slice %arg5[%dma_start3A_52, %dma_start3A_56] : memref<50x128xi32, #tpu.memory_space<vmem>> -> memref<1x128xi32, #tpu.memory_space<vmem>>
    %dma_start3A_58 = tpu.memref_squeeze %dma_start3A_57 : memref<1x128xi32, #tpu.memory_space<vmem>> -> memref<128xi32, #tpu.memory_space<vmem>>
    %dma_start3A_59 = arith.constant 0 : i32
    %dma_start3A_60 = arith.constant 0 : i32
    %dma_start3A_61 = tpu.memref_slice %arg2[%dma_start3A_59, %dma_start3A_60] : memref<1000000x64xf32, #tpu.memory_space<hbm>> -> memref<1000000x64xf32, #tpu.memory_space<hbm>>
    tpu.enqueue_indirect_dma source(%dma_start3A_61 : memref<1000000x64xf32, #tpu.memory_space<hbm>>) target(%dma_start3A_55 : memref<128x64xf32, #tpu.memory_space<vmem>>) offsets(%dma_start3A_58 : memref<128xi32, #tpu.memory_space<vmem>>) semaphore(%arg9 : memref<!tpu.dma_semaphore, #tpu.memory_space<semaphore_mem>>)
    %dma_start3A_62 = arith.constant 6 : i32
    %dma_start3A_63 = arith.constant 128 : i32
    %dma_start3A_64 = arith.constant 0 : i32
    %dma_start3A_65 = tpu.memref_slice %arg7[%dma_start3A_63, %dma_start3A_64] : memref<640x64xf32, #tpu.memory_space<vmem>> -> memref<128x64xf32, #tpu.memory_space<vmem>>
    %dma_start3A_66 = arith.constant 0 : i32
    %dma_start3A_67 = tpu.memref_slice %arg5[%dma_start3A_62, %dma_start3A_66] : memref<50x128xi32, #tpu.memory_space<vmem>> -> memref<1x128xi32, #tpu.memory_space<vmem>>
    %dma_start3A_68 = tpu.memref_squeeze %dma_start3A_67 : memref<1x128xi32, #tpu.memory_space<vmem>> -> memref<128xi32, #tpu.memory_space<vmem>>
    %dma_start3A_69 = arith.constant 0 : i32
    %dma_start3A_70 = arith.constant 0 : i32
    %dma_start3A_71 = tpu.memref_slice %arg2[%dma_start3A_69, %dma_start3A_70] : memref<1000000x64xf32, #tpu.memory_space<hbm>> -> memref<1000000x64xf32, #tpu.memory_space<hbm>>
    tpu.enqueue_indirect_dma source(%dma_start3A_71 : memref<1000000x64xf32, #tpu.memory_space<hbm>>) target(%dma_start3A_65 : memref<128x64xf32, #tpu.memory_space<vmem>>) offsets(%dma_start3A_68 : memref<128xi32, #tpu.memory_space<vmem>>) semaphore(%arg9 : memref<!tpu.dma_semaphore, #tpu.memory_space<semaphore_mem>>)
    %dma_start3A_72 = arith.constant 7 : i32
    %dma_start3A_73 = arith.constant 256 : i32
    %dma_start3A_74 = arith.constant 0 : i32
    %dma_start3A_75 = tpu.memref_slice %arg7[%dma_start3A_73, %dma_start3A_74] : memref<640x64xf32, #tpu.memory_space<vmem>> -> memref<128x64xf32, #tpu.memory_space<vmem>>
    %dma_start3A_76 = arith.constant 0 : i32
    %dma_start3A_77 = tpu.memref_slice %arg5[%dma_start3A_72, %dma_start3A_76] : memref<50x128xi32, #tpu.memory_space<vmem>> -> memref<1x128xi32, #tpu.memory_space<vmem>>
    %dma_start3A_78 = tpu.memref_squeeze %dma_start3A_77 : memref<1x128xi32, #tpu.memory_space<vmem>> -> memref<128xi32, #tpu.memory_space<vmem>>
    %dma_start3A_79 = arith.constant 0 : i32
    %dma_start3A_80 = arith.constant 0 : i32
    %dma_start3A_81 = tpu.memref_slice %arg2[%dma_start3A_79, %dma_start3A_80] : memref<1000000x64xf32, #tpu.memory_space<hbm>> -> memref<1000000x64xf32, #tpu.memory_space<hbm>>
    tpu.enqueue_indirect_dma source(%dma_start3A_81 : memref<1000000x64xf32, #tpu.memory_space<hbm>>) target(%dma_start3A_75 : memref<128x64xf32, #tpu.memory_space<vmem>>) offsets(%dma_start3A_78 : memref<128xi32, #tpu.memory_space<vmem>>) semaphore(%arg9 : memref<!tpu.dma_semaphore, #tpu.memory_space<semaphore_mem>>)
    %dma_start3A_82 = arith.constant 8 : i32
    %dma_start3A_83 = arith.constant 384 : i32
    %dma_start3A_84 = arith.constant 0 : i32
    %dma_start3A_85 = tpu.memref_slice %arg7[%dma_start3A_83, %dma_start3A_84] : memref<640x64xf32, #tpu.memory_space<vmem>> -> memref<128x64xf32, #tpu.memory_space<vmem>>
    %dma_start3A_86 = arith.constant 0 : i32
    %dma_start3A_87 = tpu.memref_slice %arg5[%dma_start3A_82, %dma_start3A_86] : memref<50x128xi32, #tpu.memory_space<vmem>> -> memref<1x128xi32, #tpu.memory_space<vmem>>
    %dma_start3A_88 = tpu.memref_squeeze %dma_start3A_87 : memref<1x128xi32, #tpu.memory_space<vmem>> -> memref<128xi32, #tpu.memory_space<vmem>>
    %dma_start3A_89 = arith.constant 0 : i32
    %dma_start3A_90 = arith.constant 0 : i32
    %dma_start3A_91 = tpu.memref_slice %arg2[%dma_start3A_89, %dma_start3A_90] : memref<1000000x64xf32, #tpu.memory_space<hbm>> -> memref<1000000x64xf32, #tpu.memory_space<hbm>>
    tpu.enqueue_indirect_dma source(%dma_start3A_91 : memref<1000000x64xf32, #tpu.memory_space<hbm>>) target(%dma_start3A_85 : memref<128x64xf32, #tpu.memory_space<vmem>>) offsets(%dma_start3A_88 : memref<128xi32, #tpu.memory_space<vmem>>) semaphore(%arg9 : memref<!tpu.dma_semaphore, #tpu.memory_space<semaphore_mem>>)
    %dma_start3A_92 = arith.constant 9 : i32
    %dma_start3A_93 = arith.constant 512 : i32
    %dma_start3A_94 = arith.constant 0 : i32
    %dma_start3A_95 = tpu.memref_slice %arg7[%dma_start3A_93, %dma_start3A_94] : memref<640x64xf32, #tpu.memory_space<vmem>> -> memref<128x64xf32, #tpu.memory_space<vmem>>
    %dma_start3A_96 = arith.constant 0 : i32
    %dma_start3A_97 = tpu.memref_slice %arg5[%dma_start3A_92, %dma_start3A_96] : memref<50x128xi32, #tpu.memory_space<vmem>> -> memref<1x128xi32, #tpu.memory_space<vmem>>
    %dma_start3A_98 = tpu.memref_squeeze %dma_start3A_97 : memref<1x128xi32, #tpu.memory_space<vmem>> -> memref<128xi32, #tpu.memory_space<vmem>>
    %dma_start3A_99 = arith.constant 0 : i32
    %dma_start3A_100 = arith.constant 0 : i32
    %dma_start3A_101 = tpu.memref_slice %arg2[%dma_start3A_99, %dma_start3A_100] : memref<1000000x64xf32, #tpu.memory_space<hbm>> -> memref<1000000x64xf32, #tpu.memory_space<hbm>>
    tpu.enqueue_indirect_dma source(%dma_start3A_101 : memref<1000000x64xf32, #tpu.memory_space<hbm>>) target(%dma_start3A_95 : memref<128x64xf32, #tpu.memory_space<vmem>>) offsets(%dma_start3A_98 : memref<128xi32, #tpu.memory_space<vmem>>) semaphore(%arg9 : memref<!tpu.dma_semaphore, #tpu.memory_space<semaphore_mem>>)
    %scan3A = arith.constant 0 : i32
    %scan3A_102 = arith.constant 0 : i32
    %scan3A_103 = arith.constant 4 : i32
    %scan3A_104 = arith.addi %scan3A_102, %scan3A_103 : i32
    %scan3A_105 = arith.constant 1 : i32
    scf.for %scan3A_318 = %scan3A_102 to %scan3A_104 step %scan3A_105  : i32 {
      %mul3A_319 = arith.constant 2 : i32
      %mul3A_320 = arith.muli %scan3A_318, %mul3A_319 : i32
      %dma_wait3A_321 = arith.constant 0 : i32
      %dma_wait3A_322 = arith.constant 0 : i32
      %dma_wait3A_323 = tpu.memref_slice %arg2[%dma_wait3A_321, %dma_wait3A_322] : memref<1000000x64xf32, #tpu.memory_space<hbm>> -> memref<640x64xf32, #tpu.memory_space<hbm>>
      %dma_wait3A_324 = arith.constant 0 : i32
      %dma_wait3A_325 = arith.constant 0 : i32
      %dma_wait3A_326 = tpu.memref_slice %arg2[%dma_wait3A_324, %dma_wait3A_325] : memref<1000000x64xf32, #tpu.memory_space<hbm>> -> memref<640x64xf32, #tpu.memory_space<hbm>>
      tpu.wait_dma2 semaphore(%arg8 : memref<!tpu.dma_semaphore, #tpu.memory_space<semaphore_mem>>) src(%dma_wait3A_326 : memref<640x64xf32, #tpu.memory_space<hbm>>) dst(%arg6 : memref<640x64xf32, #tpu.memory_space<vmem>>)
      %mul3A_327 = arith.constant 5 : i32
      %mul3A_328 = arith.muli %mul3A_320, %mul3A_327 : i32
      %add3A_329 = arith.constant 0 : i32
      %add3A_330 = arith.addi %mul3A_328, %add3A_329 : i32
      %mul3A_331 = arith.constant 64 : i32
      %mul3A_332 = arith.muli %add3A_330, %mul3A_331 : i32
      %dma_start3A_333 = arith.constant 0 : i32
      %dma_start3A_334 = arith.constant 0 : i32
      %dma_start3A_335 = tpu.memref_slice %arg6[%dma_start3A_333, %dma_start3A_334] : memref<640x64xf32, #tpu.memory_space<vmem>> -> memref<128x64xf32, #tpu.memory_space<vmem>>
      %dma_start3A_336 = tpu.memref_slice %arg4[%mul3A_2, %mul3A_332] : memref<4096x3200xf32, #tpu.memory_space<hbm>> -> memref<128x64xf32, #tpu.memory_space<hbm>>
      %dma_start3A_337 = tpu.memref_slice %arg4[%mul3A_2, %mul3A_332] : memref<4096x3200xf32, #tpu.memory_space<hbm>> -> memref<128x64xf32, #tpu.memory_space<hbm>>
      %dma_start3A_338 = arith.constant 0 : i32
      %dma_start3A_339 = arith.constant 0 : i32
      %dma_start3A_340 = tpu.memref_slice %arg6[%dma_start3A_338, %dma_start3A_339] : memref<640x64xf32, #tpu.memory_space<vmem>> -> memref<128x64xf32, #tpu.memory_space<vmem>>
      tpu.enqueue_dma source(%dma_start3A_340 : memref<128x64xf32, #tpu.memory_space<vmem>>) target(%dma_start3A_337 : memref<128x64xf32, #tpu.memory_space<hbm>>) target_semaphore(%arg10 : memref<!tpu.dma_semaphore, #tpu.memory_space<semaphore_mem>>)
      %mul3A_341 = arith.constant 5 : i32
      %mul3A_342 = arith.muli %mul3A_320, %mul3A_341 : i32
      %add3A_343 = arith.constant 1 : i32
      %add3A_344 = arith.addi %mul3A_342, %add3A_343 : i32
      %mul3A_345 = arith.constant 64 : i32
      %mul3A_346 = arith.muli %add3A_344, %mul3A_345 : i32
      %dma_start3A_347 = arith.constant 128 : i32
      %dma_start3A_348 = arith.constant 0 : i32
      %dma_start3A_349 = tpu.memref_slice %arg6[%dma_start3A_347, %dma_start3A_348] : memref<640x64xf32, #tpu.memory_space<vmem>> -> memref<128x64xf32, #tpu.memory_space<vmem>>
      %dma_start3A_350 = tpu.memref_slice %arg4[%mul3A_2, %mul3A_346] : memref<4096x3200xf32, #tpu.memory_space<hbm>> -> memref<128x64xf32, #tpu.memory_space<hbm>>
      %dma_start3A_351 = tpu.memref_slice %arg4[%mul3A_2, %mul3A_346] : memref<4096x3200xf32, #tpu.memory_space<hbm>> -> memref<128x64xf32, #tpu.memory_space<hbm>>
      %dma_start3A_352 = arith.constant 128 : i32
      %dma_start3A_353 = arith.constant 0 : i32
      %dma_start3A_354 = tpu.memref_slice %arg6[%dma_start3A_352, %dma_start3A_353] : memref<640x64xf32, #tpu.memory_space<vmem>> -> memref<128x64xf32, #tpu.memory_space<vmem>>
      tpu.enqueue_dma source(%dma_start3A_354 : memref<128x64xf32, #tpu.memory_space<vmem>>) target(%dma_start3A_351 : memref<128x64xf32, #tpu.memory_space<hbm>>) target_semaphore(%arg10 : memref<!tpu.dma_semaphore, #tpu.memory_space<semaphore_mem>>)
      %mul3A_355 = arith.constant 5 : i32
      %mul3A_356 = arith.muli %mul3A_320, %mul3A_355 : i32
      %add3A_357 = arith.constant 2 : i32
      %add3A_358 = arith.addi %mul3A_356, %add3A_357 : i32
      %mul3A_359 = arith.constant 64 : i32
      %mul3A_360 = arith.muli %add3A_358, %mul3A_359 : i32
      %dma_start3A_361 = arith.constant 256 : i32
      %dma_start3A_362 = arith.constant 0 : i32
      %dma_start3A_363 = tpu.memref_slice %arg6[%dma_start3A_361, %dma_start3A_362] : memref<640x64xf32, #tpu.memory_space<vmem>> -> memref<128x64xf32, #tpu.memory_space<vmem>>
      %dma_start3A_364 = tpu.memref_slice %arg4[%mul3A_2, %mul3A_360] : memref<4096x3200xf32, #tpu.memory_space<hbm>> -> memref<128x64xf32, #tpu.memory_space<hbm>>
      %dma_start3A_365 = tpu.memref_slice %arg4[%mul3A_2, %mul3A_360] : memref<4096x3200xf32, #tpu.memory_space<hbm>> -> memref<128x64xf32, #tpu.memory_space<hbm>>
      %dma_start3A_366 = arith.constant 256 : i32
      %dma_start3A_367 = arith.constant 0 : i32
      %dma_start3A_368 = tpu.memref_slice %arg6[%dma_start3A_366, %dma_start3A_367] : memref<640x64xf32, #tpu.memory_space<vmem>> -> memref<128x64xf32, #tpu.memory_space<vmem>>
      tpu.enqueue_dma source(%dma_start3A_368 : memref<128x64xf32, #tpu.memory_space<vmem>>) target(%dma_start3A_365 : memref<128x64xf32, #tpu.memory_space<hbm>>) target_semaphore(%arg10 : memref<!tpu.dma_semaphore, #tpu.memory_space<semaphore_mem>>)
      %mul3A_369 = arith.constant 5 : i32
      %mul3A_370 = arith.muli %mul3A_320, %mul3A_369 : i32
      %add3A_371 = arith.constant 3 : i32
      %add3A_372 = arith.addi %mul3A_370, %add3A_371 : i32
      %mul3A_373 = arith.constant 64 : i32
      %mul3A_374 = arith.muli %add3A_372, %mul3A_373 : i32
      %dma_start3A_375 = arith.constant 384 : i32
      %dma_start3A_376 = arith.constant 0 : i32
      %dma_start3A_377 = tpu.memref_slice %arg6[%dma_start3A_375, %dma_start3A_376] : memref<640x64xf32, #tpu.memory_space<vmem>> -> memref<128x64xf32, #tpu.memory_space<vmem>>
      %dma_start3A_378 = tpu.memref_slice %arg4[%mul3A_2, %mul3A_374] : memref<4096x3200xf32, #tpu.memory_space<hbm>> -> memref<128x64xf32, #tpu.memory_space<hbm>>
      %dma_start3A_379 = tpu.memref_slice %arg4[%mul3A_2, %mul3A_374] : memref<4096x3200xf32, #tpu.memory_space<hbm>> -> memref<128x64xf32, #tpu.memory_space<hbm>>
      %dma_start3A_380 = arith.constant 384 : i32
      %dma_start3A_381 = arith.constant 0 : i32
      %dma_start3A_382 = tpu.memref_slice %arg6[%dma_start3A_380, %dma_start3A_381] : memref<640x64xf32, #tpu.memory_space<vmem>> -> memref<128x64xf32, #tpu.memory_space<vmem>>
      tpu.enqueue_dma source(%dma_start3A_382 : memref<128x64xf32, #tpu.memory_space<vmem>>) target(%dma_start3A_379 : memref<128x64xf32, #tpu.memory_space<hbm>>) target_semaphore(%arg10 : memref<!tpu.dma_semaphore, #tpu.memory_space<semaphore_mem>>)
      %mul3A_383 = arith.constant 5 : i32
      %mul3A_384 = arith.muli %mul3A_320, %mul3A_383 : i32
      %add3A_385 = arith.constant 4 : i32
      %add3A_386 = arith.addi %mul3A_384, %add3A_385 : i32
      %mul3A_387 = arith.constant 64 : i32
      %mul3A_388 = arith.muli %add3A_386, %mul3A_387 : i32
      %dma_start3A_389 = arith.constant 512 : i32
      %dma_start3A_390 = arith.constant 0 : i32
      %dma_start3A_391 = tpu.memref_slice %arg6[%dma_start3A_389, %dma_start3A_390] : memref<640x64xf32, #tpu.memory_space<vmem>> -> memref<128x64xf32, #tpu.memory_space<vmem>>
      %dma_start3A_392 = tpu.memref_slice %arg4[%mul3A_2, %mul3A_388] : memref<4096x3200xf32, #tpu.memory_space<hbm>> -> memref<128x64xf32, #tpu.memory_space<hbm>>
      %dma_start3A_393 = tpu.memref_slice %arg4[%mul3A_2, %mul3A_388] : memref<4096x3200xf32, #tpu.memory_space<hbm>> -> memref<128x64xf32, #tpu.memory_space<hbm>>
      %dma_start3A_394 = arith.constant 512 : i32
      %dma_start3A_395 = arith.constant 0 : i32
      %dma_start3A_396 = tpu.memref_slice %arg6[%dma_start3A_394, %dma_start3A_395] : memref<640x64xf32, #tpu.memory_space<vmem>> -> memref<128x64xf32, #tpu.memory_space<vmem>>
      tpu.enqueue_dma source(%dma_start3A_396 : memref<128x64xf32, #tpu.memory_space<vmem>>) target(%dma_start3A_393 : memref<128x64xf32, #tpu.memory_space<hbm>>) target_semaphore(%arg10 : memref<!tpu.dma_semaphore, #tpu.memory_space<semaphore_mem>>)
      %dma_wait3A_397 = arith.constant 0 : i32
      %dma_wait3A_398 = arith.constant 0 : i32
      %dma_wait3A_399 = tpu.memref_slice %arg2[%dma_wait3A_397, %dma_wait3A_398] : memref<1000000x64xf32, #tpu.memory_space<hbm>> -> memref<640x64xf32, #tpu.memory_space<hbm>>
      %dma_wait3A_400 = arith.constant 0 : i32
      %dma_wait3A_401 = arith.constant 0 : i32
      %dma_wait3A_402 = tpu.memref_slice %arg2[%dma_wait3A_400, %dma_wait3A_401] : memref<1000000x64xf32, #tpu.memory_space<hbm>> -> memref<640x64xf32, #tpu.memory_space<hbm>>
      tpu.wait_dma2 semaphore(%arg9 : memref<!tpu.dma_semaphore, #tpu.memory_space<semaphore_mem>>) src(%dma_wait3A_402 : memref<640x64xf32, #tpu.memory_space<hbm>>) dst(%arg7 : memref<640x64xf32, #tpu.memory_space<vmem>>)
      %add3A_403 = arith.constant 1 : i32
      %add3A_404 = arith.addi %mul3A_320, %add3A_403 : i32
      %mul3A_405 = arith.constant 5 : i32
      %mul3A_406 = arith.muli %add3A_404, %mul3A_405 : i32
      %add3A_407 = arith.constant 0 : i32
      %add3A_408 = arith.addi %mul3A_406, %add3A_407 : i32
      %mul3A_409 = arith.constant 64 : i32
      %mul3A_410 = arith.muli %add3A_408, %mul3A_409 : i32
      %dma_start3A_411 = arith.constant 0 : i32
      %dma_start3A_412 = arith.constant 0 : i32
      %dma_start3A_413 = tpu.memref_slice %arg7[%dma_start3A_411, %dma_start3A_412] : memref<640x64xf32, #tpu.memory_space<vmem>> -> memref<128x64xf32, #tpu.memory_space<vmem>>
      %dma_start3A_414 = tpu.memref_slice %arg4[%mul3A_2, %mul3A_410] : memref<4096x3200xf32, #tpu.memory_space<hbm>> -> memref<128x64xf32, #tpu.memory_space<hbm>>
      %dma_start3A_415 = tpu.memref_slice %arg4[%mul3A_2, %mul3A_410] : memref<4096x3200xf32, #tpu.memory_space<hbm>> -> memref<128x64xf32, #tpu.memory_space<hbm>>
      %dma_start3A_416 = arith.constant 0 : i32
      %dma_start3A_417 = arith.constant 0 : i32
      %dma_start3A_418 = tpu.memref_slice %arg7[%dma_start3A_416, %dma_start3A_417] : memref<640x64xf32, #tpu.memory_space<vmem>> -> memref<128x64xf32, #tpu.memory_space<vmem>>
      tpu.enqueue_dma source(%dma_start3A_418 : memref<128x64xf32, #tpu.memory_space<vmem>>) target(%dma_start3A_415 : memref<128x64xf32, #tpu.memory_space<hbm>>) target_semaphore(%arg11 : memref<!tpu.dma_semaphore, #tpu.memory_space<semaphore_mem>>)
      %mul3A_419 = arith.constant 5 : i32
      %mul3A_420 = arith.muli %add3A_404, %mul3A_419 : i32
      %add3A_421 = arith.constant 1 : i32
      %add3A_422 = arith.addi %mul3A_420, %add3A_421 : i32
      %mul3A_423 = arith.constant 64 : i32
      %mul3A_424 = arith.muli %add3A_422, %mul3A_423 : i32
      %dma_start3A_425 = arith.constant 128 : i32
      %dma_start3A_426 = arith.constant 0 : i32
      %dma_start3A_427 = tpu.memref_slice %arg7[%dma_start3A_425, %dma_start3A_426] : memref<640x64xf32, #tpu.memory_space<vmem>> -> memref<128x64xf32, #tpu.memory_space<vmem>>
      %dma_start3A_428 = tpu.memref_slice %arg4[%mul3A_2, %mul3A_424] : memref<4096x3200xf32, #tpu.memory_space<hbm>> -> memref<128x64xf32, #tpu.memory_space<hbm>>
      %dma_start3A_429 = tpu.memref_slice %arg4[%mul3A_2, %mul3A_424] : memref<4096x3200xf32, #tpu.memory_space<hbm>> -> memref<128x64xf32, #tpu.memory_space<hbm>>
      %dma_start3A_430 = arith.constant 128 : i32
      %dma_start3A_431 = arith.constant 0 : i32
      %dma_start3A_432 = tpu.memref_slice %arg7[%dma_start3A_430, %dma_start3A_431] : memref<640x64xf32, #tpu.memory_space<vmem>> -> memref<128x64xf32, #tpu.memory_space<vmem>>
      tpu.enqueue_dma source(%dma_start3A_432 : memref<128x64xf32, #tpu.memory_space<vmem>>) target(%dma_start3A_429 : memref<128x64xf32, #tpu.memory_space<hbm>>) target_semaphore(%arg11 : memref<!tpu.dma_semaphore, #tpu.memory_space<semaphore_mem>>)
      %mul3A_433 = arith.constant 5 : i32
      %mul3A_434 = arith.muli %add3A_404, %mul3A_433 : i32
      %add3A_435 = arith.constant 2 : i32
      %add3A_436 = arith.addi %mul3A_434, %add3A_435 : i32
      %mul3A_437 = arith.constant 64 : i32
      %mul3A_438 = arith.muli %add3A_436, %mul3A_437 : i32
      %dma_start3A_439 = arith.constant 256 : i32
      %dma_start3A_440 = arith.constant 0 : i32
      %dma_start3A_441 = tpu.memref_slice %arg7[%dma_start3A_439, %dma_start3A_440] : memref<640x64xf32, #tpu.memory_space<vmem>> -> memref<128x64xf32, #tpu.memory_space<vmem>>
      %dma_start3A_442 = tpu.memref_slice %arg4[%mul3A_2, %mul3A_438] : memref<4096x3200xf32, #tpu.memory_space<hbm>> -> memref<128x64xf32, #tpu.memory_space<hbm>>
      %dma_start3A_443 = tpu.memref_slice %arg4[%mul3A_2, %mul3A_438] : memref<4096x3200xf32, #tpu.memory_space<hbm>> -> memref<128x64xf32, #tpu.memory_space<hbm>>
      %dma_start3A_444 = arith.constant 256 : i32
      %dma_start3A_445 = arith.constant 0 : i32
      %dma_start3A_446 = tpu.memref_slice %arg7[%dma_start3A_444, %dma_start3A_445] : memref<640x64xf32, #tpu.memory_space<vmem>> -> memref<128x64xf32, #tpu.memory_space<vmem>>
      tpu.enqueue_dma source(%dma_start3A_446 : memref<128x64xf32, #tpu.memory_space<vmem>>) target(%dma_start3A_443 : memref<128x64xf32, #tpu.memory_space<hbm>>) target_semaphore(%arg11 : memref<!tpu.dma_semaphore, #tpu.memory_space<semaphore_mem>>)
      %mul3A_447 = arith.constant 5 : i32
      %mul3A_448 = arith.muli %add3A_404, %mul3A_447 : i32
      %add3A_449 = arith.constant 3 : i32
      %add3A_450 = arith.addi %mul3A_448, %add3A_449 : i32
      %mul3A_451 = arith.constant 64 : i32
      %mul3A_452 = arith.muli %add3A_450, %mul3A_451 : i32
      %dma_start3A_453 = arith.constant 384 : i32
      %dma_start3A_454 = arith.constant 0 : i32
      %dma_start3A_455 = tpu.memref_slice %arg7[%dma_start3A_453, %dma_start3A_454] : memref<640x64xf32, #tpu.memory_space<vmem>> -> memref<128x64xf32, #tpu.memory_space<vmem>>
      %dma_start3A_456 = tpu.memref_slice %arg4[%mul3A_2, %mul3A_452] : memref<4096x3200xf32, #tpu.memory_space<hbm>> -> memref<128x64xf32, #tpu.memory_space<hbm>>
      %dma_start3A_457 = tpu.memref_slice %arg4[%mul3A_2, %mul3A_452] : memref<4096x3200xf32, #tpu.memory_space<hbm>> -> memref<128x64xf32, #tpu.memory_space<hbm>>
      %dma_start3A_458 = arith.constant 384 : i32
      %dma_start3A_459 = arith.constant 0 : i32
      %dma_start3A_460 = tpu.memref_slice %arg7[%dma_start3A_458, %dma_start3A_459] : memref<640x64xf32, #tpu.memory_space<vmem>> -> memref<128x64xf32, #tpu.memory_space<vmem>>
      tpu.enqueue_dma source(%dma_start3A_460 : memref<128x64xf32, #tpu.memory_space<vmem>>) target(%dma_start3A_457 : memref<128x64xf32, #tpu.memory_space<hbm>>) target_semaphore(%arg11 : memref<!tpu.dma_semaphore, #tpu.memory_space<semaphore_mem>>)
      %mul3A_461 = arith.constant 5 : i32
      %mul3A_462 = arith.muli %add3A_404, %mul3A_461 : i32
      %add3A_463 = arith.constant 4 : i32
      %add3A_464 = arith.addi %mul3A_462, %add3A_463 : i32
      %mul3A_465 = arith.constant 64 : i32
      %mul3A_466 = arith.muli %add3A_464, %mul3A_465 : i32
      %dma_start3A_467 = arith.constant 512 : i32
      %dma_start3A_468 = arith.constant 0 : i32
      %dma_start3A_469 = tpu.memref_slice %arg7[%dma_start3A_467, %dma_start3A_468] : memref<640x64xf32, #tpu.memory_space<vmem>> -> memref<128x64xf32, #tpu.memory_space<vmem>>
      %dma_start3A_470 = tpu.memref_slice %arg4[%mul3A_2, %mul3A_466] : memref<4096x3200xf32, #tpu.memory_space<hbm>> -> memref<128x64xf32, #tpu.memory_space<hbm>>
      %dma_start3A_471 = tpu.memref_slice %arg4[%mul3A_2, %mul3A_466] : memref<4096x3200xf32, #tpu.memory_space<hbm>> -> memref<128x64xf32, #tpu.memory_space<hbm>>
      %dma_start3A_472 = arith.constant 512 : i32
      %dma_start3A_473 = arith.constant 0 : i32
      %dma_start3A_474 = tpu.memref_slice %arg7[%dma_start3A_472, %dma_start3A_473] : memref<640x64xf32, #tpu.memory_space<vmem>> -> memref<128x64xf32, #tpu.memory_space<vmem>>
      tpu.enqueue_dma source(%dma_start3A_474 : memref<128x64xf32, #tpu.memory_space<vmem>>) target(%dma_start3A_471 : memref<128x64xf32, #tpu.memory_space<hbm>>) target_semaphore(%arg11 : memref<!tpu.dma_semaphore, #tpu.memory_space<semaphore_mem>>)
      %dma_wait3A_475 = arith.constant 0 : i32
      %dma_wait3A_476 = arith.constant 0 : i32
      %dma_wait3A_477 = tpu.memref_slice %arg6[%dma_wait3A_475, %dma_wait3A_476] : memref<640x64xf32, #tpu.memory_space<vmem>> -> memref<128x64xf32, #tpu.memory_space<vmem>>
      %dma_wait3A_478 = arith.constant 0 : i32
      %dma_wait3A_479 = tpu.memref_slice %arg4[%mul3A_2, %dma_wait3A_478] : memref<4096x3200xf32, #tpu.memory_space<hbm>> -> memref<128x64xf32, #tpu.memory_space<hbm>>
      %dma_wait3A_480 = arith.constant 0 : i32
      %dma_wait3A_481 = tpu.memref_slice %arg4[%mul3A_2, %dma_wait3A_480] : memref<4096x3200xf32, #tpu.memory_space<hbm>> -> memref<128x64xf32, #tpu.memory_space<hbm>>
      %dma_wait3A_482 = arith.constant 0 : i32
      %dma_wait3A_483 = arith.constant 0 : i32
      %dma_wait3A_484 = tpu.memref_slice %arg6[%dma_wait3A_482, %dma_wait3A_483] : memref<640x64xf32, #tpu.memory_space<vmem>> -> memref<128x64xf32, #tpu.memory_space<vmem>>
      tpu.wait_dma2 semaphore(%arg10 : memref<!tpu.dma_semaphore, #tpu.memory_space<semaphore_mem>>) src(%dma_wait3A_484 : memref<128x64xf32, #tpu.memory_space<vmem>>) dst(%dma_wait3A_481 : memref<128x64xf32, #tpu.memory_space<hbm>>)
      %dma_wait3A_485 = arith.constant 128 : i32
      %dma_wait3A_486 = arith.constant 0 : i32
      %dma_wait3A_487 = tpu.memref_slice %arg6[%dma_wait3A_485, %dma_wait3A_486] : memref<640x64xf32, #tpu.memory_space<vmem>> -> memref<128x64xf32, #tpu.memory_space<vmem>>
      %dma_wait3A_488 = arith.constant 64 : i32
      %dma_wait3A_489 = tpu.memref_slice %arg4[%mul3A_2, %dma_wait3A_488] : memref<4096x3200xf32, #tpu.memory_space<hbm>> -> memref<128x64xf32, #tpu.memory_space<hbm>>
      %dma_wait3A_490 = arith.constant 64 : i32
      %dma_wait3A_491 = tpu.memref_slice %arg4[%mul3A_2, %dma_wait3A_490] : memref<4096x3200xf32, #tpu.memory_space<hbm>> -> memref<128x64xf32, #tpu.memory_space<hbm>>
      %dma_wait3A_492 = arith.constant 128 : i32
      %dma_wait3A_493 = arith.constant 0 : i32
      %dma_wait3A_494 = tpu.memref_slice %arg6[%dma_wait3A_492, %dma_wait3A_493] : memref<640x64xf32, #tpu.memory_space<vmem>> -> memref<128x64xf32, #tpu.memory_space<vmem>>
      tpu.wait_dma2 semaphore(%arg10 : memref<!tpu.dma_semaphore, #tpu.memory_space<semaphore_mem>>) src(%dma_wait3A_494 : memref<128x64xf32, #tpu.memory_space<vmem>>) dst(%dma_wait3A_491 : memref<128x64xf32, #tpu.memory_space<hbm>>)
      %dma_wait3A_495 = arith.constant 256 : i32
      %dma_wait3A_496 = arith.constant 0 : i32
      %dma_wait3A_497 = tpu.memref_slice %arg6[%dma_wait3A_495, %dma_wait3A_496] : memref<640x64xf32, #tpu.memory_space<vmem>> -> memref<128x64xf32, #tpu.memory_space<vmem>>
      %dma_wait3A_498 = arith.constant 128 : i32
      %dma_wait3A_499 = tpu.memref_slice %arg4[%mul3A_2, %dma_wait3A_498] : memref<4096x3200xf32, #tpu.memory_space<hbm>> -> memref<128x64xf32, #tpu.memory_space<hbm>>
      %dma_wait3A_500 = arith.constant 128 : i32
      %dma_wait3A_501 = tpu.memref_slice %arg4[%mul3A_2, %dma_wait3A_500] : memref<4096x3200xf32, #tpu.memory_space<hbm>> -> memref<128x64xf32, #tpu.memory_space<hbm>>
      %dma_wait3A_502 = arith.constant 256 : i32
      %dma_wait3A_503 = arith.constant 0 : i32
      %dma_wait3A_504 = tpu.memref_slice %arg6[%dma_wait3A_502, %dma_wait3A_503] : memref<640x64xf32, #tpu.memory_space<vmem>> -> memref<128x64xf32, #tpu.memory_space<vmem>>
      tpu.wait_dma2 semaphore(%arg10 : memref<!tpu.dma_semaphore, #tpu.memory_space<semaphore_mem>>) src(%dma_wait3A_504 : memref<128x64xf32, #tpu.memory_space<vmem>>) dst(%dma_wait3A_501 : memref<128x64xf32, #tpu.memory_space<hbm>>)
      %dma_wait3A_505 = arith.constant 384 : i32
      %dma_wait3A_506 = arith.constant 0 : i32
      %dma_wait3A_507 = tpu.memref_slice %arg6[%dma_wait3A_505, %dma_wait3A_506] : memref<640x64xf32, #tpu.memory_space<vmem>> -> memref<128x64xf32, #tpu.memory_space<vmem>>
      %dma_wait3A_508 = arith.constant 192 : i32
      %dma_wait3A_509 = tpu.memref_slice %arg4[%mul3A_2, %dma_wait3A_508] : memref<4096x3200xf32, #tpu.memory_space<hbm>> -> memref<128x64xf32, #tpu.memory_space<hbm>>
      %dma_wait3A_510 = arith.constant 192 : i32
      %dma_wait3A_511 = tpu.memref_slice %arg4[%mul3A_2, %dma_wait3A_510] : memref<4096x3200xf32, #tpu.memory_space<hbm>> -> memref<128x64xf32, #tpu.memory_space<hbm>>
      %dma_wait3A_512 = arith.constant 384 : i32
      %dma_wait3A_513 = arith.constant 0 : i32
      %dma_wait3A_514 = tpu.memref_slice %arg6[%dma_wait3A_512, %dma_wait3A_513] : memref<640x64xf32, #tpu.memory_space<vmem>> -> memref<128x64xf32, #tpu.memory_space<vmem>>
      tpu.wait_dma2 semaphore(%arg10 : memref<!tpu.dma_semaphore, #tpu.memory_space<semaphore_mem>>) src(%dma_wait3A_514 : memref<128x64xf32, #tpu.memory_space<vmem>>) dst(%dma_wait3A_511 : memref<128x64xf32, #tpu.memory_space<hbm>>)
      %dma_wait3A_515 = arith.constant 512 : i32
      %dma_wait3A_516 = arith.constant 0 : i32
      %dma_wait3A_517 = tpu.memref_slice %arg6[%dma_wait3A_515, %dma_wait3A_516] : memref<640x64xf32, #tpu.memory_space<vmem>> -> memref<128x64xf32, #tpu.memory_space<vmem>>
      %dma_wait3A_518 = arith.constant 256 : i32
      %dma_wait3A_519 = tpu.memref_slice %arg4[%mul3A_2, %dma_wait3A_518] : memref<4096x3200xf32, #tpu.memory_space<hbm>> -> memref<128x64xf32, #tpu.memory_space<hbm>>
      %dma_wait3A_520 = arith.constant 256 : i32
      %dma_wait3A_521 = tpu.memref_slice %arg4[%mul3A_2, %dma_wait3A_520] : memref<4096x3200xf32, #tpu.memory_space<hbm>> -> memref<128x64xf32, #tpu.memory_space<hbm>>
      %dma_wait3A_522 = arith.constant 512 : i32
      %dma_wait3A_523 = arith.constant 0 : i32
      %dma_wait3A_524 = tpu.memref_slice %arg6[%dma_wait3A_522, %dma_wait3A_523] : memref<640x64xf32, #tpu.memory_space<vmem>> -> memref<128x64xf32, #tpu.memory_space<vmem>>
      tpu.wait_dma2 semaphore(%arg10 : memref<!tpu.dma_semaphore, #tpu.memory_space<semaphore_mem>>) src(%dma_wait3A_524 : memref<128x64xf32, #tpu.memory_space<vmem>>) dst(%dma_wait3A_521 : memref<128x64xf32, #tpu.memory_space<hbm>>)
      %add3A_525 = arith.constant 2 : i32
      %add3A_526 = arith.addi %mul3A_320, %add3A_525 : i32
      %mul3A_527 = arith.constant 5 : i32
      %mul3A_528 = arith.muli %add3A_526, %mul3A_527 : i32
      %add3A_529 = arith.constant 0 : i32
      %add3A_530 = arith.addi %mul3A_528, %add3A_529 : i32
      %dma_start3A_531 = arith.constant 0 : i32
      %dma_start3A_532 = arith.constant 0 : i32
      %dma_start3A_533 = tpu.memref_slice %arg6[%dma_start3A_531, %dma_start3A_532] : memref<640x64xf32, #tpu.memory_space<vmem>> -> memref<128x64xf32, #tpu.memory_space<vmem>>
      %dma_start3A_534 = arith.constant 0 : i32
      %dma_start3A_535 = tpu.memref_slice %arg5[%add3A_530, %dma_start3A_534] : memref<50x128xi32, #tpu.memory_space<vmem>> -> memref<1x128xi32, #tpu.memory_space<vmem>>
      %dma_start3A_536 = tpu.memref_squeeze %dma_start3A_535 : memref<1x128xi32, #tpu.memory_space<vmem>> -> memref<128xi32, #tpu.memory_space<vmem>>
      %dma_start3A_537 = arith.constant 0 : i32
      %dma_start3A_538 = arith.constant 0 : i32
      %dma_start3A_539 = tpu.memref_slice %arg2[%dma_start3A_537, %dma_start3A_538] : memref<1000000x64xf32, #tpu.memory_space<hbm>> -> memref<1000000x64xf32, #tpu.memory_space<hbm>>
      tpu.enqueue_indirect_dma source(%dma_start3A_539 : memref<1000000x64xf32, #tpu.memory_space<hbm>>) target(%dma_start3A_533 : memref<128x64xf32, #tpu.memory_space<vmem>>) offsets(%dma_start3A_536 : memref<128xi32, #tpu.memory_space<vmem>>) semaphore(%arg8 : memref<!tpu.dma_semaphore, #tpu.memory_space<semaphore_mem>>)
      %mul3A_540 = arith.constant 5 : i32
      %mul3A_541 = arith.muli %add3A_526, %mul3A_540 : i32
      %add3A_542 = arith.constant 1 : i32
      %add3A_543 = arith.addi %mul3A_541, %add3A_542 : i32
      %dma_start3A_544 = arith.constant 128 : i32
      %dma_start3A_545 = arith.constant 0 : i32
      %dma_start3A_546 = tpu.memref_slice %arg6[%dma_start3A_544, %dma_start3A_545] : memref<640x64xf32, #tpu.memory_space<vmem>> -> memref<128x64xf32, #tpu.memory_space<vmem>>
      %dma_start3A_547 = arith.constant 0 : i32
      %dma_start3A_548 = tpu.memref_slice %arg5[%add3A_543, %dma_start3A_547] : memref<50x128xi32, #tpu.memory_space<vmem>> -> memref<1x128xi32, #tpu.memory_space<vmem>>
      %dma_start3A_549 = tpu.memref_squeeze %dma_start3A_548 : memref<1x128xi32, #tpu.memory_space<vmem>> -> memref<128xi32, #tpu.memory_space<vmem>>
      %dma_start3A_550 = arith.constant 0 : i32
      %dma_start3A_551 = arith.constant 0 : i32
      %dma_start3A_552 = tpu.memref_slice %arg2[%dma_start3A_550, %dma_start3A_551] : memref<1000000x64xf32, #tpu.memory_space<hbm>> -> memref<1000000x64xf32, #tpu.memory_space<hbm>>
      tpu.enqueue_indirect_dma source(%dma_start3A_552 : memref<1000000x64xf32, #tpu.memory_space<hbm>>) target(%dma_start3A_546 : memref<128x64xf32, #tpu.memory_space<vmem>>) offsets(%dma_start3A_549 : memref<128xi32, #tpu.memory_space<vmem>>) semaphore(%arg8 : memref<!tpu.dma_semaphore, #tpu.memory_space<semaphore_mem>>)
      %mul3A_553 = arith.constant 5 : i32
      %mul3A_554 = arith.muli %add3A_526, %mul3A_553 : i32
      %add3A_555 = arith.constant 2 : i32
      %add3A_556 = arith.addi %mul3A_554, %add3A_555 : i32
      %dma_start3A_557 = arith.constant 256 : i32
      %dma_start3A_558 = arith.constant 0 : i32
      %dma_start3A_559 = tpu.memref_slice %arg6[%dma_start3A_557, %dma_start3A_558] : memref<640x64xf32, #tpu.memory_space<vmem>> -> memref<128x64xf32, #tpu.memory_space<vmem>>
      %dma_start3A_560 = arith.constant 0 : i32
      %dma_start3A_561 = tpu.memref_slice %arg5[%add3A_556, %dma_start3A_560] : memref<50x128xi32, #tpu.memory_space<vmem>> -> memref<1x128xi32, #tpu.memory_space<vmem>>
      %dma_start3A_562 = tpu.memref_squeeze %dma_start3A_561 : memref<1x128xi32, #tpu.memory_space<vmem>> -> memref<128xi32, #tpu.memory_space<vmem>>
      %dma_start3A_563 = arith.constant 0 : i32
      %dma_start3A_564 = arith.constant 0 : i32
      %dma_start3A_565 = tpu.memref_slice %arg2[%dma_start3A_563, %dma_start3A_564] : memref<1000000x64xf32, #tpu.memory_space<hbm>> -> memref<1000000x64xf32, #tpu.memory_space<hbm>>
      tpu.enqueue_indirect_dma source(%dma_start3A_565 : memref<1000000x64xf32, #tpu.memory_space<hbm>>) target(%dma_start3A_559 : memref<128x64xf32, #tpu.memory_space<vmem>>) offsets(%dma_start3A_562 : memref<128xi32, #tpu.memory_space<vmem>>) semaphore(%arg8 : memref<!tpu.dma_semaphore, #tpu.memory_space<semaphore_mem>>)
      %mul3A_566 = arith.constant 5 : i32
      %mul3A_567 = arith.muli %add3A_526, %mul3A_566 : i32
      %add3A_568 = arith.constant 3 : i32
      %add3A_569 = arith.addi %mul3A_567, %add3A_568 : i32
      %dma_start3A_570 = arith.constant 384 : i32
      %dma_start3A_571 = arith.constant 0 : i32
      %dma_start3A_572 = tpu.memref_slice %arg6[%dma_start3A_570, %dma_start3A_571] : memref<640x64xf32, #tpu.memory_space<vmem>> -> memref<128x64xf32, #tpu.memory_space<vmem>>
      %dma_start3A_573 = arith.constant 0 : i32
      %dma_start3A_574 = tpu.memref_slice %arg5[%add3A_569, %dma_start3A_573] : memref<50x128xi32, #tpu.memory_space<vmem>> -> memref<1x128xi32, #tpu.memory_space<vmem>>
      %dma_start3A_575 = tpu.memref_squeeze %dma_start3A_574 : memref<1x128xi32, #tpu.memory_space<vmem>> -> memref<128xi32, #tpu.memory_space<vmem>>
      %dma_start3A_576 = arith.constant 0 : i32
      %dma_start3A_577 = arith.constant 0 : i32
      %dma_start3A_578 = tpu.memref_slice %arg2[%dma_start3A_576, %dma_start3A_577] : memref<1000000x64xf32, #tpu.memory_space<hbm>> -> memref<1000000x64xf32, #tpu.memory_space<hbm>>
      tpu.enqueue_indirect_dma source(%dma_start3A_578 : memref<1000000x64xf32, #tpu.memory_space<hbm>>) target(%dma_start3A_572 : memref<128x64xf32, #tpu.memory_space<vmem>>) offsets(%dma_start3A_575 : memref<128xi32, #tpu.memory_space<vmem>>) semaphore(%arg8 : memref<!tpu.dma_semaphore, #tpu.memory_space<semaphore_mem>>)
      %mul3A_579 = arith.constant 5 : i32
      %mul3A_580 = arith.muli %add3A_526, %mul3A_579 : i32
      %add3A_581 = arith.constant 4 : i32
      %add3A_582 = arith.addi %mul3A_580, %add3A_581 : i32
      %dma_start3A_583 = arith.constant 512 : i32
      %dma_start3A_584 = arith.constant 0 : i32
      %dma_start3A_585 = tpu.memref_slice %arg6[%dma_start3A_583, %dma_start3A_584] : memref<640x64xf32, #tpu.memory_space<vmem>> -> memref<128x64xf32, #tpu.memory_space<vmem>>
      %dma_start3A_586 = arith.constant 0 : i32
      %dma_start3A_587 = tpu.memref_slice %arg5[%add3A_582, %dma_start3A_586] : memref<50x128xi32, #tpu.memory_space<vmem>> -> memref<1x128xi32, #tpu.memory_space<vmem>>
      %dma_start3A_588 = tpu.memref_squeeze %dma_start3A_587 : memref<1x128xi32, #tpu.memory_space<vmem>> -> memref<128xi32, #tpu.memory_space<vmem>>
      %dma_start3A_589 = arith.constant 0 : i32
      %dma_start3A_590 = arith.constant 0 : i32
      %dma_start3A_591 = tpu.memref_slice %arg2[%dma_start3A_589, %dma_start3A_590] : memref<1000000x64xf32, #tpu.memory_space<hbm>> -> memref<1000000x64xf32, #tpu.memory_space<hbm>>
      tpu.enqueue_indirect_dma source(%dma_start3A_591 : memref<1000000x64xf32, #tpu.memory_space<hbm>>) target(%dma_start3A_585 : memref<128x64xf32, #tpu.memory_space<vmem>>) offsets(%dma_start3A_588 : memref<128xi32, #tpu.memory_space<vmem>>) semaphore(%arg8 : memref<!tpu.dma_semaphore, #tpu.memory_space<semaphore_mem>>)
      %dma_wait3A_592 = arith.constant 0 : i32
      %dma_wait3A_593 = arith.constant 0 : i32
      %dma_wait3A_594 = tpu.memref_slice %arg7[%dma_wait3A_592, %dma_wait3A_593] : memref<640x64xf32, #tpu.memory_space<vmem>> -> memref<128x64xf32, #tpu.memory_space<vmem>>
      %dma_wait3A_595 = arith.constant 0 : i32
      %dma_wait3A_596 = tpu.memref_slice %arg4[%mul3A_2, %dma_wait3A_595] : memref<4096x3200xf32, #tpu.memory_space<hbm>> -> memref<128x64xf32, #tpu.memory_space<hbm>>
      %dma_wait3A_597 = arith.constant 0 : i32
      %dma_wait3A_598 = tpu.memref_slice %arg4[%mul3A_2, %dma_wait3A_597] : memref<4096x3200xf32, #tpu.memory_space<hbm>> -> memref<128x64xf32, #tpu.memory_space<hbm>>
      %dma_wait3A_599 = arith.constant 0 : i32
      %dma_wait3A_600 = arith.constant 0 : i32
      %dma_wait3A_601 = tpu.memref_slice %arg7[%dma_wait3A_599, %dma_wait3A_600] : memref<640x64xf32, #tpu.memory_space<vmem>> -> memref<128x64xf32, #tpu.memory_space<vmem>>
      tpu.wait_dma2 semaphore(%arg11 : memref<!tpu.dma_semaphore, #tpu.memory_space<semaphore_mem>>) src(%dma_wait3A_601 : memref<128x64xf32, #tpu.memory_space<vmem>>) dst(%dma_wait3A_598 : memref<128x64xf32, #tpu.memory_space<hbm>>)
      %dma_wait3A_602 = arith.constant 128 : i32
      %dma_wait3A_603 = arith.constant 0 : i32
      %dma_wait3A_604 = tpu.memref_slice %arg7[%dma_wait3A_602, %dma_wait3A_603] : memref<640x64xf32, #tpu.memory_space<vmem>> -> memref<128x64xf32, #tpu.memory_space<vmem>>
      %dma_wait3A_605 = arith.constant 64 : i32
      %dma_wait3A_606 = tpu.memref_slice %arg4[%mul3A_2, %dma_wait3A_605] : memref<4096x3200xf32, #tpu.memory_space<hbm>> -> memref<128x64xf32, #tpu.memory_space<hbm>>
      %dma_wait3A_607 = arith.constant 64 : i32
      %dma_wait3A_608 = tpu.memref_slice %arg4[%mul3A_2, %dma_wait3A_607] : memref<4096x3200xf32, #tpu.memory_space<hbm>> -> memref<128x64xf32, #tpu.memory_space<hbm>>
      %dma_wait3A_609 = arith.constant 128 : i32
      %dma_wait3A_610 = arith.constant 0 : i32
      %dma_wait3A_611 = tpu.memref_slice %arg7[%dma_wait3A_609, %dma_wait3A_610] : memref<640x64xf32, #tpu.memory_space<vmem>> -> memref<128x64xf32, #tpu.memory_space<vmem>>
      tpu.wait_dma2 semaphore(%arg11 : memref<!tpu.dma_semaphore, #tpu.memory_space<semaphore_mem>>) src(%dma_wait3A_611 : memref<128x64xf32, #tpu.memory_space<vmem>>) dst(%dma_wait3A_608 : memref<128x64xf32, #tpu.memory_space<hbm>>)
      %dma_wait3A_612 = arith.constant 256 : i32
      %dma_wait3A_613 = arith.constant 0 : i32
      %dma_wait3A_614 = tpu.memref_slice %arg7[%dma_wait3A_612, %dma_wait3A_613] : memref<640x64xf32, #tpu.memory_space<vmem>> -> memref<128x64xf32, #tpu.memory_space<vmem>>
      %dma_wait3A_615 = arith.constant 128 : i32
      %dma_wait3A_616 = tpu.memref_slice %arg4[%mul3A_2, %dma_wait3A_615] : memref<4096x3200xf32, #tpu.memory_space<hbm>> -> memref<128x64xf32, #tpu.memory_space<hbm>>
      %dma_wait3A_617 = arith.constant 128 : i32
      %dma_wait3A_618 = tpu.memref_slice %arg4[%mul3A_2, %dma_wait3A_617] : memref<4096x3200xf32, #tpu.memory_space<hbm>> -> memref<128x64xf32, #tpu.memory_space<hbm>>
      %dma_wait3A_619 = arith.constant 256 : i32
      %dma_wait3A_620 = arith.constant 0 : i32
      %dma_wait3A_621 = tpu.memref_slice %arg7[%dma_wait3A_619, %dma_wait3A_620] : memref<640x64xf32, #tpu.memory_space<vmem>> -> memref<128x64xf32, #tpu.memory_space<vmem>>
      tpu.wait_dma2 semaphore(%arg11 : memref<!tpu.dma_semaphore, #tpu.memory_space<semaphore_mem>>) src(%dma_wait3A_621 : memref<128x64xf32, #tpu.memory_space<vmem>>) dst(%dma_wait3A_618 : memref<128x64xf32, #tpu.memory_space<hbm>>)
      %dma_wait3A_622 = arith.constant 384 : i32
      %dma_wait3A_623 = arith.constant 0 : i32
      %dma_wait3A_624 = tpu.memref_slice %arg7[%dma_wait3A_622, %dma_wait3A_623] : memref<640x64xf32, #tpu.memory_space<vmem>> -> memref<128x64xf32, #tpu.memory_space<vmem>>
      %dma_wait3A_625 = arith.constant 192 : i32
      %dma_wait3A_626 = tpu.memref_slice %arg4[%mul3A_2, %dma_wait3A_625] : memref<4096x3200xf32, #tpu.memory_space<hbm>> -> memref<128x64xf32, #tpu.memory_space<hbm>>
      %dma_wait3A_627 = arith.constant 192 : i32
      %dma_wait3A_628 = tpu.memref_slice %arg4[%mul3A_2, %dma_wait3A_627] : memref<4096x3200xf32, #tpu.memory_space<hbm>> -> memref<128x64xf32, #tpu.memory_space<hbm>>
      %dma_wait3A_629 = arith.constant 384 : i32
      %dma_wait3A_630 = arith.constant 0 : i32
      %dma_wait3A_631 = tpu.memref_slice %arg7[%dma_wait3A_629, %dma_wait3A_630] : memref<640x64xf32, #tpu.memory_space<vmem>> -> memref<128x64xf32, #tpu.memory_space<vmem>>
      tpu.wait_dma2 semaphore(%arg11 : memref<!tpu.dma_semaphore, #tpu.memory_space<semaphore_mem>>) src(%dma_wait3A_631 : memref<128x64xf32, #tpu.memory_space<vmem>>) dst(%dma_wait3A_628 : memref<128x64xf32, #tpu.memory_space<hbm>>)
      %dma_wait3A_632 = arith.constant 512 : i32
      %dma_wait3A_633 = arith.constant 0 : i32
      %dma_wait3A_634 = tpu.memref_slice %arg7[%dma_wait3A_632, %dma_wait3A_633] : memref<640x64xf32, #tpu.memory_space<vmem>> -> memref<128x64xf32, #tpu.memory_space<vmem>>
      %dma_wait3A_635 = arith.constant 256 : i32
      %dma_wait3A_636 = tpu.memref_slice %arg4[%mul3A_2, %dma_wait3A_635] : memref<4096x3200xf32, #tpu.memory_space<hbm>> -> memref<128x64xf32, #tpu.memory_space<hbm>>
      %dma_wait3A_637 = arith.constant 256 : i32
      %dma_wait3A_638 = tpu.memref_slice %arg4[%mul3A_2, %dma_wait3A_637] : memref<4096x3200xf32, #tpu.memory_space<hbm>> -> memref<128x64xf32, #tpu.memory_space<hbm>>
      %dma_wait3A_639 = arith.constant 512 : i32
      %dma_wait3A_640 = arith.constant 0 : i32
      %dma_wait3A_641 = tpu.memref_slice %arg7[%dma_wait3A_639, %dma_wait3A_640] : memref<640x64xf32, #tpu.memory_space<vmem>> -> memref<128x64xf32, #tpu.memory_space<vmem>>
      tpu.wait_dma2 semaphore(%arg11 : memref<!tpu.dma_semaphore, #tpu.memory_space<semaphore_mem>>) src(%dma_wait3A_641 : memref<128x64xf32, #tpu.memory_space<vmem>>) dst(%dma_wait3A_638 : memref<128x64xf32, #tpu.memory_space<hbm>>)
      %add3A_642 = arith.constant 3 : i32
      %add3A_643 = arith.addi %mul3A_320, %add3A_642 : i32
      %mul3A_644 = arith.constant 5 : i32
      %mul3A_645 = arith.muli %add3A_643, %mul3A_644 : i32
      %add3A_646 = arith.constant 0 : i32
      %add3A_647 = arith.addi %mul3A_645, %add3A_646 : i32
      %dma_start3A_648 = arith.constant 0 : i32
      %dma_start3A_649 = arith.constant 0 : i32
      %dma_start3A_650 = tpu.memref_slice %arg7[%dma_start3A_648, %dma_start3A_649] : memref<640x64xf32, #tpu.memory_space<vmem>> -> memref<128x64xf32, #tpu.memory_space<vmem>>
      %dma_start3A_651 = arith.constant 0 : i32
      %dma_start3A_652 = tpu.memref_slice %arg5[%add3A_647, %dma_start3A_651] : memref<50x128xi32, #tpu.memory_space<vmem>> -> memref<1x128xi32, #tpu.memory_space<vmem>>
      %dma_start3A_653 = tpu.memref_squeeze %dma_start3A_652 : memref<1x128xi32, #tpu.memory_space<vmem>> -> memref<128xi32, #tpu.memory_space<vmem>>
      %dma_start3A_654 = arith.constant 0 : i32
      %dma_start3A_655 = arith.constant 0 : i32
      %dma_start3A_656 = tpu.memref_slice %arg2[%dma_start3A_654, %dma_start3A_655] : memref<1000000x64xf32, #tpu.memory_space<hbm>> -> memref<1000000x64xf32, #tpu.memory_space<hbm>>
      tpu.enqueue_indirect_dma source(%dma_start3A_656 : memref<1000000x64xf32, #tpu.memory_space<hbm>>) target(%dma_start3A_650 : memref<128x64xf32, #tpu.memory_space<vmem>>) offsets(%dma_start3A_653 : memref<128xi32, #tpu.memory_space<vmem>>) semaphore(%arg9 : memref<!tpu.dma_semaphore, #tpu.memory_space<semaphore_mem>>)
      %mul3A_657 = arith.constant 5 : i32
      %mul3A_658 = arith.muli %add3A_643, %mul3A_657 : i32
      %add3A_659 = arith.constant 1 : i32
      %add3A_660 = arith.addi %mul3A_658, %add3A_659 : i32
      %dma_start3A_661 = arith.constant 128 : i32
      %dma_start3A_662 = arith.constant 0 : i32
      %dma_start3A_663 = tpu.memref_slice %arg7[%dma_start3A_661, %dma_start3A_662] : memref<640x64xf32, #tpu.memory_space<vmem>> -> memref<128x64xf32, #tpu.memory_space<vmem>>
      %dma_start3A_664 = arith.constant 0 : i32
      %dma_start3A_665 = tpu.memref_slice %arg5[%add3A_660, %dma_start3A_664] : memref<50x128xi32, #tpu.memory_space<vmem>> -> memref<1x128xi32, #tpu.memory_space<vmem>>
      %dma_start3A_666 = tpu.memref_squeeze %dma_start3A_665 : memref<1x128xi32, #tpu.memory_space<vmem>> -> memref<128xi32, #tpu.memory_space<vmem>>
      %dma_start3A_667 = arith.constant 0 : i32
      %dma_start3A_668 = arith.constant 0 : i32
      %dma_start3A_669 = tpu.memref_slice %arg2[%dma_start3A_667, %dma_start3A_668] : memref<1000000x64xf32, #tpu.memory_space<hbm>> -> memref<1000000x64xf32, #tpu.memory_space<hbm>>
      tpu.enqueue_indirect_dma source(%dma_start3A_669 : memref<1000000x64xf32, #tpu.memory_space<hbm>>) target(%dma_start3A_663 : memref<128x64xf32, #tpu.memory_space<vmem>>) offsets(%dma_start3A_666 : memref<128xi32, #tpu.memory_space<vmem>>) semaphore(%arg9 : memref<!tpu.dma_semaphore, #tpu.memory_space<semaphore_mem>>)
      %mul3A_670 = arith.constant 5 : i32
      %mul3A_671 = arith.muli %add3A_643, %mul3A_670 : i32
      %add3A_672 = arith.constant 2 : i32
      %add3A_673 = arith.addi %mul3A_671, %add3A_672 : i32
      %dma_start3A_674 = arith.constant 256 : i32
      %dma_start3A_675 = arith.constant 0 : i32
      %dma_start3A_676 = tpu.memref_slice %arg7[%dma_start3A_674, %dma_start3A_675] : memref<640x64xf32, #tpu.memory_space<vmem>> -> memref<128x64xf32, #tpu.memory_space<vmem>>
      %dma_start3A_677 = arith.constant 0 : i32
      %dma_start3A_678 = tpu.memref_slice %arg5[%add3A_673, %dma_start3A_677] : memref<50x128xi32, #tpu.memory_space<vmem>> -> memref<1x128xi32, #tpu.memory_space<vmem>>
      %dma_start3A_679 = tpu.memref_squeeze %dma_start3A_678 : memref<1x128xi32, #tpu.memory_space<vmem>> -> memref<128xi32, #tpu.memory_space<vmem>>
      %dma_start3A_680 = arith.constant 0 : i32
      %dma_start3A_681 = arith.constant 0 : i32
      %dma_start3A_682 = tpu.memref_slice %arg2[%dma_start3A_680, %dma_start3A_681] : memref<1000000x64xf32, #tpu.memory_space<hbm>> -> memref<1000000x64xf32, #tpu.memory_space<hbm>>
      tpu.enqueue_indirect_dma source(%dma_start3A_682 : memref<1000000x64xf32, #tpu.memory_space<hbm>>) target(%dma_start3A_676 : memref<128x64xf32, #tpu.memory_space<vmem>>) offsets(%dma_start3A_679 : memref<128xi32, #tpu.memory_space<vmem>>) semaphore(%arg9 : memref<!tpu.dma_semaphore, #tpu.memory_space<semaphore_mem>>)
      %mul3A_683 = arith.constant 5 : i32
      %mul3A_684 = arith.muli %add3A_643, %mul3A_683 : i32
      %add3A_685 = arith.constant 3 : i32
      %add3A_686 = arith.addi %mul3A_684, %add3A_685 : i32
      %dma_start3A_687 = arith.constant 384 : i32
      %dma_start3A_688 = arith.constant 0 : i32
      %dma_start3A_689 = tpu.memref_slice %arg7[%dma_start3A_687, %dma_start3A_688] : memref<640x64xf32, #tpu.memory_space<vmem>> -> memref<128x64xf32, #tpu.memory_space<vmem>>
      %dma_start3A_690 = arith.constant 0 : i32
      %dma_start3A_691 = tpu.memref_slice %arg5[%add3A_686, %dma_start3A_690] : memref<50x128xi32, #tpu.memory_space<vmem>> -> memref<1x128xi32, #tpu.memory_space<vmem>>
      %dma_start3A_692 = tpu.memref_squeeze %dma_start3A_691 : memref<1x128xi32, #tpu.memory_space<vmem>> -> memref<128xi32, #tpu.memory_space<vmem>>
      %dma_start3A_693 = arith.constant 0 : i32
      %dma_start3A_694 = arith.constant 0 : i32
      %dma_start3A_695 = tpu.memref_slice %arg2[%dma_start3A_693, %dma_start3A_694] : memref<1000000x64xf32, #tpu.memory_space<hbm>> -> memref<1000000x64xf32, #tpu.memory_space<hbm>>
      tpu.enqueue_indirect_dma source(%dma_start3A_695 : memref<1000000x64xf32, #tpu.memory_space<hbm>>) target(%dma_start3A_689 : memref<128x64xf32, #tpu.memory_space<vmem>>) offsets(%dma_start3A_692 : memref<128xi32, #tpu.memory_space<vmem>>) semaphore(%arg9 : memref<!tpu.dma_semaphore, #tpu.memory_space<semaphore_mem>>)
      %mul3A_696 = arith.constant 5 : i32
      %mul3A_697 = arith.muli %add3A_643, %mul3A_696 : i32
      %add3A_698 = arith.constant 4 : i32
      %add3A_699 = arith.addi %mul3A_697, %add3A_698 : i32
      %dma_start3A_700 = arith.constant 512 : i32
      %dma_start3A_701 = arith.constant 0 : i32
      %dma_start3A_702 = tpu.memref_slice %arg7[%dma_start3A_700, %dma_start3A_701] : memref<640x64xf32, #tpu.memory_space<vmem>> -> memref<128x64xf32, #tpu.memory_space<vmem>>
      %dma_start3A_703 = arith.constant 0 : i32
      %dma_start3A_704 = tpu.memref_slice %arg5[%add3A_699, %dma_start3A_703] : memref<50x128xi32, #tpu.memory_space<vmem>> -> memref<1x128xi32, #tpu.memory_space<vmem>>
      %dma_start3A_705 = tpu.memref_squeeze %dma_start3A_704 : memref<1x128xi32, #tpu.memory_space<vmem>> -> memref<128xi32, #tpu.memory_space<vmem>>
      %dma_start3A_706 = arith.constant 0 : i32
      %dma_start3A_707 = arith.constant 0 : i32
      %dma_start3A_708 = tpu.memref_slice %arg2[%dma_start3A_706, %dma_start3A_707] : memref<1000000x64xf32, #tpu.memory_space<hbm>> -> memref<1000000x64xf32, #tpu.memory_space<hbm>>
      tpu.enqueue_indirect_dma source(%dma_start3A_708 : memref<1000000x64xf32, #tpu.memory_space<hbm>>) target(%dma_start3A_702 : memref<128x64xf32, #tpu.memory_space<vmem>>) offsets(%dma_start3A_705 : memref<128xi32, #tpu.memory_space<vmem>>) semaphore(%arg9 : memref<!tpu.dma_semaphore, #tpu.memory_space<semaphore_mem>>)
    }
    %scan3A_106 = arith.constant 4 : i32
    %dma_wait3A = arith.constant 0 : i32
    %dma_wait3A_107 = arith.constant 0 : i32
    %dma_wait3A_108 = tpu.memref_slice %arg2[%dma_wait3A, %dma_wait3A_107] : memref<1000000x64xf32, #tpu.memory_space<hbm>> -> memref<640x64xf32, #tpu.memory_space<hbm>>
    %dma_wait3A_109 = arith.constant 0 : i32
    %dma_wait3A_110 = arith.constant 0 : i32
    %dma_wait3A_111 = tpu.memref_slice %arg2[%dma_wait3A_109, %dma_wait3A_110] : memref<1000000x64xf32, #tpu.memory_space<hbm>> -> memref<640x64xf32, #tpu.memory_space<hbm>>
    tpu.wait_dma2 semaphore(%arg8 : memref<!tpu.dma_semaphore, #tpu.memory_space<semaphore_mem>>) src(%dma_wait3A_111 : memref<640x64xf32, #tpu.memory_space<hbm>>) dst(%arg6 : memref<640x64xf32, #tpu.memory_space<vmem>>)
    %dma_start3A_112 = arith.constant 0 : i32
    %dma_start3A_113 = arith.constant 0 : i32
    %dma_start3A_114 = tpu.memref_slice %arg6[%dma_start3A_112, %dma_start3A_113] : memref<640x64xf32, #tpu.memory_space<vmem>> -> memref<128x64xf32, #tpu.memory_space<vmem>>
    %dma_start3A_115 = arith.constant 2560 : i32
    %dma_start3A_116 = tpu.memref_slice %arg4[%mul3A_2, %dma_start3A_115] : memref<4096x3200xf32, #tpu.memory_space<hbm>> -> memref<128x64xf32, #tpu.memory_space<hbm>>
    %dma_start3A_117 = arith.constant 2560 : i32
    %dma_start3A_118 = tpu.memref_slice %arg4[%mul3A_2, %dma_start3A_117] : memref<4096x3200xf32, #tpu.memory_space<hbm>> -> memref<128x64xf32, #tpu.memory_space<hbm>>
    %dma_start3A_119 = arith.constant 0 : i32
    %dma_start3A_120 = arith.constant 0 : i32
    %dma_start3A_121 = tpu.memref_slice %arg6[%dma_start3A_119, %dma_start3A_120] : memref<640x64xf32, #tpu.memory_space<vmem>> -> memref<128x64xf32, #tpu.memory_space<vmem>>
    tpu.enqueue_dma source(%dma_start3A_121 : memref<128x64xf32, #tpu.memory_space<vmem>>) target(%dma_start3A_118 : memref<128x64xf32, #tpu.memory_space<hbm>>) target_semaphore(%arg10 : memref<!tpu.dma_semaphore, #tpu.memory_space<semaphore_mem>>)
    %dma_start3A_122 = arith.constant 128 : i32
    %dma_start3A_123 = arith.constant 0 : i32
    %dma_start3A_124 = tpu.memref_slice %arg6[%dma_start3A_122, %dma_start3A_123] : memref<640x64xf32, #tpu.memory_space<vmem>> -> memref<128x64xf32, #tpu.memory_space<vmem>>
    %dma_start3A_125 = arith.constant 2624 : i32
    %dma_start3A_126 = tpu.memref_slice %arg4[%mul3A_2, %dma_start3A_125] : memref<4096x3200xf32, #tpu.memory_space<hbm>> -> memref<128x64xf32, #tpu.memory_space<hbm>>
    %dma_start3A_127 = arith.constant 2624 : i32
    %dma_start3A_128 = tpu.memref_slice %arg4[%mul3A_2, %dma_start3A_127] : memref<4096x3200xf32, #tpu.memory_space<hbm>> -> memref<128x64xf32, #tpu.memory_space<hbm>>
    %dma_start3A_129 = arith.constant 128 : i32
    %dma_start3A_130 = arith.constant 0 : i32
    %dma_start3A_131 = tpu.memref_slice %arg6[%dma_start3A_129, %dma_start3A_130] : memref<640x64xf32, #tpu.memory_space<vmem>> -> memref<128x64xf32, #tpu.memory_space<vmem>>
    tpu.enqueue_dma source(%dma_start3A_131 : memref<128x64xf32, #tpu.memory_space<vmem>>) target(%dma_start3A_128 : memref<128x64xf32, #tpu.memory_space<hbm>>) target_semaphore(%arg10 : memref<!tpu.dma_semaphore, #tpu.memory_space<semaphore_mem>>)
    %dma_start3A_132 = arith.constant 256 : i32
    %dma_start3A_133 = arith.constant 0 : i32
    %dma_start3A_134 = tpu.memref_slice %arg6[%dma_start3A_132, %dma_start3A_133] : memref<640x64xf32, #tpu.memory_space<vmem>> -> memref<128x64xf32, #tpu.memory_space<vmem>>
    %dma_start3A_135 = arith.constant 2688 : i32
    %dma_start3A_136 = tpu.memref_slice %arg4[%mul3A_2, %dma_start3A_135] : memref<4096x3200xf32, #tpu.memory_space<hbm>> -> memref<128x64xf32, #tpu.memory_space<hbm>>
    %dma_start3A_137 = arith.constant 2688 : i32
    %dma_start3A_138 = tpu.memref_slice %arg4[%mul3A_2, %dma_start3A_137] : memref<4096x3200xf32, #tpu.memory_space<hbm>> -> memref<128x64xf32, #tpu.memory_space<hbm>>
    %dma_start3A_139 = arith.constant 256 : i32
    %dma_start3A_140 = arith.constant 0 : i32
    %dma_start3A_141 = tpu.memref_slice %arg6[%dma_start3A_139, %dma_start3A_140] : memref<640x64xf32, #tpu.memory_space<vmem>> -> memref<128x64xf32, #tpu.memory_space<vmem>>
    tpu.enqueue_dma source(%dma_start3A_141 : memref<128x64xf32, #tpu.memory_space<vmem>>) target(%dma_start3A_138 : memref<128x64xf32, #tpu.memory_space<hbm>>) target_semaphore(%arg10 : memref<!tpu.dma_semaphore, #tpu.memory_space<semaphore_mem>>)
    %dma_start3A_142 = arith.constant 384 : i32
    %dma_start3A_143 = arith.constant 0 : i32
    %dma_start3A_144 = tpu.memref_slice %arg6[%dma_start3A_142, %dma_start3A_143] : memref<640x64xf32, #tpu.memory_space<vmem>> -> memref<128x64xf32, #tpu.memory_space<vmem>>
    %dma_start3A_145 = arith.constant 2752 : i32
    %dma_start3A_146 = tpu.memref_slice %arg4[%mul3A_2, %dma_start3A_145] : memref<4096x3200xf32, #tpu.memory_space<hbm>> -> memref<128x64xf32, #tpu.memory_space<hbm>>
    %dma_start3A_147 = arith.constant 2752 : i32
    %dma_start3A_148 = tpu.memref_slice %arg4[%mul3A_2, %dma_start3A_147] : memref<4096x3200xf32, #tpu.memory_space<hbm>> -> memref<128x64xf32, #tpu.memory_space<hbm>>
    %dma_start3A_149 = arith.constant 384 : i32
    %dma_start3A_150 = arith.constant 0 : i32
    %dma_start3A_151 = tpu.memref_slice %arg6[%dma_start3A_149, %dma_start3A_150] : memref<640x64xf32, #tpu.memory_space<vmem>> -> memref<128x64xf32, #tpu.memory_space<vmem>>
    tpu.enqueue_dma source(%dma_start3A_151 : memref<128x64xf32, #tpu.memory_space<vmem>>) target(%dma_start3A_148 : memref<128x64xf32, #tpu.memory_space<hbm>>) target_semaphore(%arg10 : memref<!tpu.dma_semaphore, #tpu.memory_space<semaphore_mem>>)
    %dma_start3A_152 = arith.constant 512 : i32
    %dma_start3A_153 = arith.constant 0 : i32
    %dma_start3A_154 = tpu.memref_slice %arg6[%dma_start3A_152, %dma_start3A_153] : memref<640x64xf32, #tpu.memory_space<vmem>> -> memref<128x64xf32, #tpu.memory_space<vmem>>
    %dma_start3A_155 = arith.constant 2816 : i32
    %dma_start3A_156 = tpu.memref_slice %arg4[%mul3A_2, %dma_start3A_155] : memref<4096x3200xf32, #tpu.memory_space<hbm>> -> memref<128x64xf32, #tpu.memory_space<hbm>>
    %dma_start3A_157 = arith.constant 2816 : i32
    %dma_start3A_158 = tpu.memref_slice %arg4[%mul3A_2, %dma_start3A_157] : memref<4096x3200xf32, #tpu.memory_space<hbm>> -> memref<128x64xf32, #tpu.memory_space<hbm>>
    %dma_start3A_159 = arith.constant 512 : i32
    %dma_start3A_160 = arith.constant 0 : i32
    %dma_start3A_161 = tpu.memref_slice %arg6[%dma_start3A_159, %dma_start3A_160] : memref<640x64xf32, #tpu.memory_space<vmem>> -> memref<128x64xf32, #tpu.memory_space<vmem>>
    tpu.enqueue_dma source(%dma_start3A_161 : memref<128x64xf32, #tpu.memory_space<vmem>>) target(%dma_start3A_158 : memref<128x64xf32, #tpu.memory_space<hbm>>) target_semaphore(%arg10 : memref<!tpu.dma_semaphore, #tpu.memory_space<semaphore_mem>>)
    %dma_wait3A_162 = arith.constant 0 : i32
    %dma_wait3A_163 = arith.constant 0 : i32
    %dma_wait3A_164 = tpu.memref_slice %arg2[%dma_wait3A_162, %dma_wait3A_163] : memref<1000000x64xf32, #tpu.memory_space<hbm>> -> memref<640x64xf32, #tpu.memory_space<hbm>>
    %dma_wait3A_165 = arith.constant 0 : i32
    %dma_wait3A_166 = arith.constant 0 : i32
    %dma_wait3A_167 = tpu.memref_slice %arg2[%dma_wait3A_165, %dma_wait3A_166] : memref<1000000x64xf32, #tpu.memory_space<hbm>> -> memref<640x64xf32, #tpu.memory_space<hbm>>
    tpu.wait_dma2 semaphore(%arg9 : memref<!tpu.dma_semaphore, #tpu.memory_space<semaphore_mem>>) src(%dma_wait3A_167 : memref<640x64xf32, #tpu.memory_space<hbm>>) dst(%arg7 : memref<640x64xf32, #tpu.memory_space<vmem>>)
    %dma_start3A_168 = arith.constant 0 : i32
    %dma_start3A_169 = arith.constant 0 : i32
    %dma_start3A_170 = tpu.memref_slice %arg7[%dma_start3A_168, %dma_start3A_169] : memref<640x64xf32, #tpu.memory_space<vmem>> -> memref<128x64xf32, #tpu.memory_space<vmem>>
    %dma_start3A_171 = arith.constant 2880 : i32
    %dma_start3A_172 = tpu.memref_slice %arg4[%mul3A_2, %dma_start3A_171] : memref<4096x3200xf32, #tpu.memory_space<hbm>> -> memref<128x64xf32, #tpu.memory_space<hbm>>
    %dma_start3A_173 = arith.constant 2880 : i32
    %dma_start3A_174 = tpu.memref_slice %arg4[%mul3A_2, %dma_start3A_173] : memref<4096x3200xf32, #tpu.memory_space<hbm>> -> memref<128x64xf32, #tpu.memory_space<hbm>>
    %dma_start3A_175 = arith.constant 0 : i32
    %dma_start3A_176 = arith.constant 0 : i32
    %dma_start3A_177 = tpu.memref_slice %arg7[%dma_start3A_175, %dma_start3A_176] : memref<640x64xf32, #tpu.memory_space<vmem>> -> memref<128x64xf32, #tpu.memory_space<vmem>>
    tpu.enqueue_dma source(%dma_start3A_177 : memref<128x64xf32, #tpu.memory_space<vmem>>) target(%dma_start3A_174 : memref<128x64xf32, #tpu.memory_space<hbm>>) target_semaphore(%arg11 : memref<!tpu.dma_semaphore, #tpu.memory_space<semaphore_mem>>)
    %dma_start3A_178 = arith.constant 128 : i32
    %dma_start3A_179 = arith.constant 0 : i32
    %dma_start3A_180 = tpu.memref_slice %arg7[%dma_start3A_178, %dma_start3A_179] : memref<640x64xf32, #tpu.memory_space<vmem>> -> memref<128x64xf32, #tpu.memory_space<vmem>>
    %dma_start3A_181 = arith.constant 2944 : i32
    %dma_start3A_182 = tpu.memref_slice %arg4[%mul3A_2, %dma_start3A_181] : memref<4096x3200xf32, #tpu.memory_space<hbm>> -> memref<128x64xf32, #tpu.memory_space<hbm>>
    %dma_start3A_183 = arith.constant 2944 : i32
    %dma_start3A_184 = tpu.memref_slice %arg4[%mul3A_2, %dma_start3A_183] : memref<4096x3200xf32, #tpu.memory_space<hbm>> -> memref<128x64xf32, #tpu.memory_space<hbm>>
    %dma_start3A_185 = arith.constant 128 : i32
    %dma_start3A_186 = arith.constant 0 : i32
    %dma_start3A_187 = tpu.memref_slice %arg7[%dma_start3A_185, %dma_start3A_186] : memref<640x64xf32, #tpu.memory_space<vmem>> -> memref<128x64xf32, #tpu.memory_space<vmem>>
    tpu.enqueue_dma source(%dma_start3A_187 : memref<128x64xf32, #tpu.memory_space<vmem>>) target(%dma_start3A_184 : memref<128x64xf32, #tpu.memory_space<hbm>>) target_semaphore(%arg11 : memref<!tpu.dma_semaphore, #tpu.memory_space<semaphore_mem>>)
    %dma_start3A_188 = arith.constant 256 : i32
    %dma_start3A_189 = arith.constant 0 : i32
    %dma_start3A_190 = tpu.memref_slice %arg7[%dma_start3A_188, %dma_start3A_189] : memref<640x64xf32, #tpu.memory_space<vmem>> -> memref<128x64xf32, #tpu.memory_space<vmem>>
    %dma_start3A_191 = arith.constant 3008 : i32
    %dma_start3A_192 = tpu.memref_slice %arg4[%mul3A_2, %dma_start3A_191] : memref<4096x3200xf32, #tpu.memory_space<hbm>> -> memref<128x64xf32, #tpu.memory_space<hbm>>
    %dma_start3A_193 = arith.constant 3008 : i32
    %dma_start3A_194 = tpu.memref_slice %arg4[%mul3A_2, %dma_start3A_193] : memref<4096x3200xf32, #tpu.memory_space<hbm>> -> memref<128x64xf32, #tpu.memory_space<hbm>>
    %dma_start3A_195 = arith.constant 256 : i32
    %dma_start3A_196 = arith.constant 0 : i32
    %dma_start3A_197 = tpu.memref_slice %arg7[%dma_start3A_195, %dma_start3A_196] : memref<640x64xf32, #tpu.memory_space<vmem>> -> memref<128x64xf32, #tpu.memory_space<vmem>>
    tpu.enqueue_dma source(%dma_start3A_197 : memref<128x64xf32, #tpu.memory_space<vmem>>) target(%dma_start3A_194 : memref<128x64xf32, #tpu.memory_space<hbm>>) target_semaphore(%arg11 : memref<!tpu.dma_semaphore, #tpu.memory_space<semaphore_mem>>)
    %dma_start3A_198 = arith.constant 384 : i32
    %dma_start3A_199 = arith.constant 0 : i32
    %dma_start3A_200 = tpu.memref_slice %arg7[%dma_start3A_198, %dma_start3A_199] : memref<640x64xf32, #tpu.memory_space<vmem>> -> memref<128x64xf32, #tpu.memory_space<vmem>>
    %dma_start3A_201 = arith.constant 3072 : i32
    %dma_start3A_202 = tpu.memref_slice %arg4[%mul3A_2, %dma_start3A_201] : memref<4096x3200xf32, #tpu.memory_space<hbm>> -> memref<128x64xf32, #tpu.memory_space<hbm>>
    %dma_start3A_203 = arith.constant 3072 : i32
    %dma_start3A_204 = tpu.memref_slice %arg4[%mul3A_2, %dma_start3A_203] : memref<4096x3200xf32, #tpu.memory_space<hbm>> -> memref<128x64xf32, #tpu.memory_space<hbm>>
    %dma_start3A_205 = arith.constant 384 : i32
    %dma_start3A_206 = arith.constant 0 : i32
    %dma_start3A_207 = tpu.memref_slice %arg7[%dma_start3A_205, %dma_start3A_206] : memref<640x64xf32, #tpu.memory_space<vmem>> -> memref<128x64xf32, #tpu.memory_space<vmem>>
    tpu.enqueue_dma source(%dma_start3A_207 : memref<128x64xf32, #tpu.memory_space<vmem>>) target(%dma_start3A_204 : memref<128x64xf32, #tpu.memory_space<hbm>>) target_semaphore(%arg11 : memref<!tpu.dma_semaphore, #tpu.memory_space<semaphore_mem>>)
    %dma_start3A_208 = arith.constant 512 : i32
    %dma_start3A_209 = arith.constant 0 : i32
    %dma_start3A_210 = tpu.memref_slice %arg7[%dma_start3A_208, %dma_start3A_209] : memref<640x64xf32, #tpu.memory_space<vmem>> -> memref<128x64xf32, #tpu.memory_space<vmem>>
    %dma_start3A_211 = arith.constant 3136 : i32
    %dma_start3A_212 = tpu.memref_slice %arg4[%mul3A_2, %dma_start3A_211] : memref<4096x3200xf32, #tpu.memory_space<hbm>> -> memref<128x64xf32, #tpu.memory_space<hbm>>
    %dma_start3A_213 = arith.constant 3136 : i32
    %dma_start3A_214 = tpu.memref_slice %arg4[%mul3A_2, %dma_start3A_213] : memref<4096x3200xf32, #tpu.memory_space<hbm>> -> memref<128x64xf32, #tpu.memory_space<hbm>>
    %dma_start3A_215 = arith.constant 512 : i32
    %dma_start3A_216 = arith.constant 0 : i32
    %dma_start3A_217 = tpu.memref_slice %arg7[%dma_start3A_215, %dma_start3A_216] : memref<640x64xf32, #tpu.memory_space<vmem>> -> memref<128x64xf32, #tpu.memory_space<vmem>>
    tpu.enqueue_dma source(%dma_start3A_217 : memref<128x64xf32, #tpu.memory_space<vmem>>) target(%dma_start3A_214 : memref<128x64xf32, #tpu.memory_space<hbm>>) target_semaphore(%arg11 : memref<!tpu.dma_semaphore, #tpu.memory_space<semaphore_mem>>)
    %dma_wait3A_218 = arith.constant 0 : i32
    %dma_wait3A_219 = arith.constant 0 : i32
    %dma_wait3A_220 = tpu.memref_slice %arg6[%dma_wait3A_218, %dma_wait3A_219] : memref<640x64xf32, #tpu.memory_space<vmem>> -> memref<128x64xf32, #tpu.memory_space<vmem>>
    %dma_wait3A_221 = arith.constant 0 : i32
    %dma_wait3A_222 = tpu.memref_slice %arg4[%mul3A_2, %dma_wait3A_221] : memref<4096x3200xf32, #tpu.memory_space<hbm>> -> memref<128x64xf32, #tpu.memory_space<hbm>>
    %dma_wait3A_223 = arith.constant 0 : i32
    %dma_wait3A_224 = tpu.memref_slice %arg4[%mul3A_2, %dma_wait3A_223] : memref<4096x3200xf32, #tpu.memory_space<hbm>> -> memref<128x64xf32, #tpu.memory_space<hbm>>
    %dma_wait3A_225 = arith.constant 0 : i32
    %dma_wait3A_226 = arith.constant 0 : i32
    %dma_wait3A_227 = tpu.memref_slice %arg6[%dma_wait3A_225, %dma_wait3A_226] : memref<640x64xf32, #tpu.memory_space<vmem>> -> memref<128x64xf32, #tpu.memory_space<vmem>>
    tpu.wait_dma2 semaphore(%arg10 : memref<!tpu.dma_semaphore, #tpu.memory_space<semaphore_mem>>) src(%dma_wait3A_227 : memref<128x64xf32, #tpu.memory_space<vmem>>) dst(%dma_wait3A_224 : memref<128x64xf32, #tpu.memory_space<hbm>>)
    %dma_wait3A_228 = arith.constant 128 : i32
    %dma_wait3A_229 = arith.constant 0 : i32
    %dma_wait3A_230 = tpu.memref_slice %arg6[%dma_wait3A_228, %dma_wait3A_229] : memref<640x64xf32, #tpu.memory_space<vmem>> -> memref<128x64xf32, #tpu.memory_space<vmem>>
    %dma_wait3A_231 = arith.constant 64 : i32
    %dma_wait3A_232 = tpu.memref_slice %arg4[%mul3A_2, %dma_wait3A_231] : memref<4096x3200xf32, #tpu.memory_space<hbm>> -> memref<128x64xf32, #tpu.memory_space<hbm>>
    %dma_wait3A_233 = arith.constant 64 : i32
    %dma_wait3A_234 = tpu.memref_slice %arg4[%mul3A_2, %dma_wait3A_233] : memref<4096x3200xf32, #tpu.memory_space<hbm>> -> memref<128x64xf32, #tpu.memory_space<hbm>>
    %dma_wait3A_235 = arith.constant 128 : i32
    %dma_wait3A_236 = arith.constant 0 : i32
    %dma_wait3A_237 = tpu.memref_slice %arg6[%dma_wait3A_235, %dma_wait3A_236] : memref<640x64xf32, #tpu.memory_space<vmem>> -> memref<128x64xf32, #tpu.memory_space<vmem>>
    tpu.wait_dma2 semaphore(%arg10 : memref<!tpu.dma_semaphore, #tpu.memory_space<semaphore_mem>>) src(%dma_wait3A_237 : memref<128x64xf32, #tpu.memory_space<vmem>>) dst(%dma_wait3A_234 : memref<128x64xf32, #tpu.memory_space<hbm>>)
    %dma_wait3A_238 = arith.constant 256 : i32
    %dma_wait3A_239 = arith.constant 0 : i32
    %dma_wait3A_240 = tpu.memref_slice %arg6[%dma_wait3A_238, %dma_wait3A_239] : memref<640x64xf32, #tpu.memory_space<vmem>> -> memref<128x64xf32, #tpu.memory_space<vmem>>
    %dma_wait3A_241 = arith.constant 128 : i32
    %dma_wait3A_242 = tpu.memref_slice %arg4[%mul3A_2, %dma_wait3A_241] : memref<4096x3200xf32, #tpu.memory_space<hbm>> -> memref<128x64xf32, #tpu.memory_space<hbm>>
    %dma_wait3A_243 = arith.constant 128 : i32
    %dma_wait3A_244 = tpu.memref_slice %arg4[%mul3A_2, %dma_wait3A_243] : memref<4096x3200xf32, #tpu.memory_space<hbm>> -> memref<128x64xf32, #tpu.memory_space<hbm>>
    %dma_wait3A_245 = arith.constant 256 : i32
    %dma_wait3A_246 = arith.constant 0 : i32
    %dma_wait3A_247 = tpu.memref_slice %arg6[%dma_wait3A_245, %dma_wait3A_246] : memref<640x64xf32, #tpu.memory_space<vmem>> -> memref<128x64xf32, #tpu.memory_space<vmem>>
    tpu.wait_dma2 semaphore(%arg10 : memref<!tpu.dma_semaphore, #tpu.memory_space<semaphore_mem>>) src(%dma_wait3A_247 : memref<128x64xf32, #tpu.memory_space<vmem>>) dst(%dma_wait3A_244 : memref<128x64xf32, #tpu.memory_space<hbm>>)
    %dma_wait3A_248 = arith.constant 384 : i32
    %dma_wait3A_249 = arith.constant 0 : i32
    %dma_wait3A_250 = tpu.memref_slice %arg6[%dma_wait3A_248, %dma_wait3A_249] : memref<640x64xf32, #tpu.memory_space<vmem>> -> memref<128x64xf32, #tpu.memory_space<vmem>>
    %dma_wait3A_251 = arith.constant 192 : i32
    %dma_wait3A_252 = tpu.memref_slice %arg4[%mul3A_2, %dma_wait3A_251] : memref<4096x3200xf32, #tpu.memory_space<hbm>> -> memref<128x64xf32, #tpu.memory_space<hbm>>
    %dma_wait3A_253 = arith.constant 192 : i32
    %dma_wait3A_254 = tpu.memref_slice %arg4[%mul3A_2, %dma_wait3A_253] : memref<4096x3200xf32, #tpu.memory_space<hbm>> -> memref<128x64xf32, #tpu.memory_space<hbm>>
    %dma_wait3A_255 = arith.constant 384 : i32
    %dma_wait3A_256 = arith.constant 0 : i32
    %dma_wait3A_257 = tpu.memref_slice %arg6[%dma_wait3A_255, %dma_wait3A_256] : memref<640x64xf32, #tpu.memory_space<vmem>> -> memref<128x64xf32, #tpu.memory_space<vmem>>
    tpu.wait_dma2 semaphore(%arg10 : memref<!tpu.dma_semaphore, #tpu.memory_space<semaphore_mem>>) src(%dma_wait3A_257 : memref<128x64xf32, #tpu.memory_space<vmem>>) dst(%dma_wait3A_254 : memref<128x64xf32, #tpu.memory_space<hbm>>)
    %dma_wait3A_258 = arith.constant 512 : i32
    %dma_wait3A_259 = arith.constant 0 : i32
    %dma_wait3A_260 = tpu.memref_slice %arg6[%dma_wait3A_258, %dma_wait3A_259] : memref<640x64xf32, #tpu.memory_space<vmem>> -> memref<128x64xf32, #tpu.memory_space<vmem>>
    %dma_wait3A_261 = arith.constant 256 : i32
    %dma_wait3A_262 = tpu.memref_slice %arg4[%mul3A_2, %dma_wait3A_261] : memref<4096x3200xf32, #tpu.memory_space<hbm>> -> memref<128x64xf32, #tpu.memory_space<hbm>>
    %dma_wait3A_263 = arith.constant 256 : i32
    %dma_wait3A_264 = tpu.memref_slice %arg4[%mul3A_2, %dma_wait3A_263] : memref<4096x3200xf32, #tpu.memory_space<hbm>> -> memref<128x64xf32, #tpu.memory_space<hbm>>
    %dma_wait3A_265 = arith.constant 512 : i32
    %dma_wait3A_266 = arith.constant 0 : i32
    %dma_wait3A_267 = tpu.memref_slice %arg6[%dma_wait3A_265, %dma_wait3A_266] : memref<640x64xf32, #tpu.memory_space<vmem>> -> memref<128x64xf32, #tpu.memory_space<vmem>>
    tpu.wait_dma2 semaphore(%arg10 : memref<!tpu.dma_semaphore, #tpu.memory_space<semaphore_mem>>) src(%dma_wait3A_267 : memref<128x64xf32, #tpu.memory_space<vmem>>) dst(%dma_wait3A_264 : memref<128x64xf32, #tpu.memory_space<hbm>>)
    %dma_wait3A_268 = arith.constant 0 : i32
    %dma_wait3A_269 = arith.constant 0 : i32
    %dma_wait3A_270 = tpu.memref_slice %arg7[%dma_wait3A_268, %dma_wait3A_269] : memref<640x64xf32, #tpu.memory_space<vmem>> -> memref<128x64xf32, #tpu.memory_space<vmem>>
    %dma_wait3A_271 = arith.constant 0 : i32
    %dma_wait3A_272 = tpu.memref_slice %arg4[%mul3A_2, %dma_wait3A_271] : memref<4096x3200xf32, #tpu.memory_space<hbm>> -> memref<128x64xf32, #tpu.memory_space<hbm>>
    %dma_wait3A_273 = arith.constant 0 : i32
    %dma_wait3A_274 = tpu.memref_slice %arg4[%mul3A_2, %dma_wait3A_273] : memref<4096x3200xf32, #tpu.memory_space<hbm>> -> memref<128x64xf32, #tpu.memory_space<hbm>>
    %dma_wait3A_275 = arith.constant 0 : i32
    %dma_wait3A_276 = arith.constant 0 : i32
    %dma_wait3A_277 = tpu.memref_slice %arg7[%dma_wait3A_275, %dma_wait3A_276] : memref<640x64xf32, #tpu.memory_space<vmem>> -> memref<128x64xf32, #tpu.memory_space<vmem>>
    tpu.wait_dma2 semaphore(%arg11 : memref<!tpu.dma_semaphore, #tpu.memory_space<semaphore_mem>>) src(%dma_wait3A_277 : memref<128x64xf32, #tpu.memory_space<vmem>>) dst(%dma_wait3A_274 : memref<128x64xf32, #tpu.memory_space<hbm>>)
    %dma_wait3A_278 = arith.constant 128 : i32
    %dma_wait3A_279 = arith.constant 0 : i32
    %dma_wait3A_280 = tpu.memref_slice %arg7[%dma_wait3A_278, %dma_wait3A_279] : memref<640x64xf32, #tpu.memory_space<vmem>> -> memref<128x64xf32, #tpu.memory_space<vmem>>
    %dma_wait3A_281 = arith.constant 64 : i32
    %dma_wait3A_282 = tpu.memref_slice %arg4[%mul3A_2, %dma_wait3A_281] : memref<4096x3200xf32, #tpu.memory_space<hbm>> -> memref<128x64xf32, #tpu.memory_space<hbm>>
    %dma_wait3A_283 = arith.constant 64 : i32
    %dma_wait3A_284 = tpu.memref_slice %arg4[%mul3A_2, %dma_wait3A_283] : memref<4096x3200xf32, #tpu.memory_space<hbm>> -> memref<128x64xf32, #tpu.memory_space<hbm>>
    %dma_wait3A_285 = arith.constant 128 : i32
    %dma_wait3A_286 = arith.constant 0 : i32
    %dma_wait3A_287 = tpu.memref_slice %arg7[%dma_wait3A_285, %dma_wait3A_286] : memref<640x64xf32, #tpu.memory_space<vmem>> -> memref<128x64xf32, #tpu.memory_space<vmem>>
    tpu.wait_dma2 semaphore(%arg11 : memref<!tpu.dma_semaphore, #tpu.memory_space<semaphore_mem>>) src(%dma_wait3A_287 : memref<128x64xf32, #tpu.memory_space<vmem>>) dst(%dma_wait3A_284 : memref<128x64xf32, #tpu.memory_space<hbm>>)
    %dma_wait3A_288 = arith.constant 256 : i32
    %dma_wait3A_289 = arith.constant 0 : i32
    %dma_wait3A_290 = tpu.memref_slice %arg7[%dma_wait3A_288, %dma_wait3A_289] : memref<640x64xf32, #tpu.memory_space<vmem>> -> memref<128x64xf32, #tpu.memory_space<vmem>>
    %dma_wait3A_291 = arith.constant 128 : i32
    %dma_wait3A_292 = tpu.memref_slice %arg4[%mul3A_2, %dma_wait3A_291] : memref<4096x3200xf32, #tpu.memory_space<hbm>> -> memref<128x64xf32, #tpu.memory_space<hbm>>
    %dma_wait3A_293 = arith.constant 128 : i32
    %dma_wait3A_294 = tpu.memref_slice %arg4[%mul3A_2, %dma_wait3A_293] : memref<4096x3200xf32, #tpu.memory_space<hbm>> -> memref<128x64xf32, #tpu.memory_space<hbm>>
    %dma_wait3A_295 = arith.constant 256 : i32
    %dma_wait3A_296 = arith.constant 0 : i32
    %dma_wait3A_297 = tpu.memref_slice %arg7[%dma_wait3A_295, %dma_wait3A_296] : memref<640x64xf32, #tpu.memory_space<vmem>> -> memref<128x64xf32, #tpu.memory_space<vmem>>
    tpu.wait_dma2 semaphore(%arg11 : memref<!tpu.dma_semaphore, #tpu.memory_space<semaphore_mem>>) src(%dma_wait3A_297 : memref<128x64xf32, #tpu.memory_space<vmem>>) dst(%dma_wait3A_294 : memref<128x64xf32, #tpu.memory_space<hbm>>)
    %dma_wait3A_298 = arith.constant 384 : i32
    %dma_wait3A_299 = arith.constant 0 : i32
    %dma_wait3A_300 = tpu.memref_slice %arg7[%dma_wait3A_298, %dma_wait3A_299] : memref<640x64xf32, #tpu.memory_space<vmem>> -> memref<128x64xf32, #tpu.memory_space<vmem>>
    %dma_wait3A_301 = arith.constant 192 : i32
    %dma_wait3A_302 = tpu.memref_slice %arg4[%mul3A_2, %dma_wait3A_301] : memref<4096x3200xf32, #tpu.memory_space<hbm>> -> memref<128x64xf32, #tpu.memory_space<hbm>>
    %dma_wait3A_303 = arith.constant 192 : i32
    %dma_wait3A_304 = tpu.memref_slice %arg4[%mul3A_2, %dma_wait3A_303] : memref<4096x3200xf32, #tpu.memory_space<hbm>> -> memref<128x64xf32, #tpu.memory_space<hbm>>
    %dma_wait3A_305 = arith.constant 384 : i32
    %dma_wait3A_306 = arith.constant 0 : i32
    %dma_wait3A_307 = tpu.memref_slice %arg7[%dma_wait3A_305, %dma_wait3A_306] : memref<640x64xf32, #tpu.memory_space<vmem>> -> memref<128x64xf32, #tpu.memory_space<vmem>>
    tpu.wait_dma2 semaphore(%arg11 : memref<!tpu.dma_semaphore, #tpu.memory_space<semaphore_mem>>) src(%dma_wait3A_307 : memref<128x64xf32, #tpu.memory_space<vmem>>) dst(%dma_wait3A_304 : memref<128x64xf32, #tpu.memory_space<hbm>>)
    %dma_wait3A_308 = arith.constant 512 : i32
    %dma_wait3A_309 = arith.constant 0 : i32
    %dma_wait3A_310 = tpu.memref_slice %arg7[%dma_wait3A_308, %dma_wait3A_309] : memref<640x64xf32, #tpu.memory_space<vmem>> -> memref<128x64xf32, #tpu.memory_space<vmem>>
    %dma_wait3A_311 = arith.constant 256 : i32
    %dma_wait3A_312 = tpu.memref_slice %arg4[%mul3A_2, %dma_wait3A_311] : memref<4096x3200xf32, #tpu.memory_space<hbm>> -> memref<128x64xf32, #tpu.memory_space<hbm>>
    %dma_wait3A_313 = arith.constant 256 : i32
    %dma_wait3A_314 = tpu.memref_slice %arg4[%mul3A_2, %dma_wait3A_313] : memref<4096x3200xf32, #tpu.memory_space<hbm>> -> memref<128x64xf32, #tpu.memory_space<hbm>>
    %dma_wait3A_315 = arith.constant 512 : i32
    %dma_wait3A_316 = arith.constant 0 : i32
    %dma_wait3A_317 = tpu.memref_slice %arg7[%dma_wait3A_315, %dma_wait3A_316] : memref<640x64xf32, #tpu.memory_space<vmem>> -> memref<128x64xf32, #tpu.memory_space<vmem>>
    tpu.wait_dma2 semaphore(%arg11 : memref<!tpu.dma_semaphore, #tpu.memory_space<semaphore_mem>>) src(%dma_wait3A_317 : memref<128x64xf32, #tpu.memory_space<vmem>>) dst(%dma_wait3A_314 : memref<128x64xf32, #tpu.memory_space<hbm>>)
    return
  }
}

</mosaic_0001>

<sc_bundles>
// kernel: kernel.3.cloned.1.call-start
scs
__scs_entry_jumppad:
0x0: {  	(pc) =	sbr.rel $0x88, $3  }
0x1: {  	(tag) =	ssettag $0x0;
	lr =	simm.s32 $0x1  }
0x2: {  	[smem:$0x3F9F] =	sst lr;
	_ =	strace $0xD0000000  }
0x3: {  	_ = 	snop  }
0x4: {  	_ = 	snop  }
0x5: {  	_ = 	snop  }
0x6: {  	_ = 	snop  }
0x7: {  	_ = 	snop  }
__scs_overlays_trampoline_lowered:
0x8: {  	[smem:$0x3FAE] =	sst s0  }
0x9: {  	[smem:$0x3FAF] =	sst s1  }
0xa: {  	[smem:$0x3FB0] =	sst s2  }
0xb: {  	[smem:$0x3FB1] =	sst s3  }
0xc: {  	[smem:$0x3FB2] =	sst s4  }
0xd: {  	[smem:$0x3FB3] =	sst s5  }
0xe: {  	[smem:$0x3FB4] =	sst s6  }
0xf: {  	[smem:$0x3FB5] =	sst s7  }
0x10: {  	[smem:$0x3FB6] =	sst s8  }
0x11: {  	[smem:$0x3FB7] =	sst s9;
	s0 =	simm.s32 @!p0 $0x0  }
0x12: {  	s1 =	sld [smem:$0x3F9D];
	s0 =	simm.s32 @p0 $0x1  }
0x13: {  	[smem:$0x3FB8] =	sst s0;
	s0 =	simm.s32 @!p1 $0x0  }
0x14: {  	s2 =	sld [smem:$0x3F9C];
	s0 =	simm.s32 @p1 $0x1  }
0x15: {  	[smem:$0x3FB9] =	sst s0;
	s0 =	simm.s32 @!p2 $0x0  }
0x16: {  	s3 =	sld [smem:$0x3FDB];
	s0 =	simm.s32 @p2 $0x1  }
0x17: {  	s4 =	simm.s32 $0x1BF5;
	[smem:$0x3FBB] =	sst s0  }
0x18: {  	s0 =	sld [smem:$0x3F9E];
	_ =	swait.ge [sflag:s4], $0x0  }
0x19: {  	s7 =	sld [smem:$0x3F9F]  }
0x1a: {  	s8 =	sadd.s32 $0xFFFFE003, lr  }
0x1b: {  	s9 =	sadd.s32 $0xFFFFFEF7, lr;
	s5 =	simm.s32 $0xFFFFFFFF;
	p2 =	slt.u32 s8, $0xFFFFF086  }
0x1c: {  	p1 =	slt.u32 s9, $0xF7A;
	s5 =	simm.s32 @!p2 $0x0  }
0x1d: {  	s5 =	simm.s32 @p1 $0x1;
	p0 =	seq.s32 s7, s2  }
0x1e: {  	s7 =	smul.u32 @!p0 $0xF7A, s2;
	p2 =	seq.s32 @!p0 s5, $0x0  }
0x1f: {  	s9 =	smul.u32 $0xF7A, s1;
	s8 =	simm.s32 @!p0 $0x1BF5;
	p2 =	por !p2, p0  }
0x20: {  	[sflag:s8] =	ssyncset.s32 @!p0 $0xFFFFF086;
	s6 =	sadd.s32 @!p0 s3, s7;
	s7 =	simm.s32 @!p0 $0x108  }
0x21: {  	s3 =	sadd.s32 s3, s9;
	s6 =	sadd.s32 @!p0 $0x88, s6;
	s7 =	simm.s32 @p2 $0x1082  }
0x22: {  	[simem:s7], [sflag:s8] =	dma.local @!p0 [hbm:s6], $0xF7A  }
0x23: {  	s9 =	sor.u32 $0xD0000000, s2;
	s6 =	simm.s32 $0x108;
	_ =	swait.ge @!p0 [sflag:s8], $0x0  }
0x24: {  	s3 =	sadd.s32 $0x88, s3;
	s6 =	simm.s32 @!p1 $0x1082;
	[sflag:s4] =	ssyncset.s32 $0xFFFFF086  }
0x25: {  	[simem:s6], [sflag:s4] =	dma.local [hbm:s3], $0xF7A  }
0x26: {  	[smem:$0x3F9F] =	sst s1;
	(tag) =	ssettag s2;
	_ =	strace s9  }
0x27: {  	s1 =	sld [smem:$0x3FAF]  }
0x28: {  	s2 =	sld [smem:$0x3FB0]  }
0x29: {  	s4 =	sld [smem:$0x3FB2]  }
0x2a: {  	p0 =	seq.s32 s5, $0x0;
	s5 =	sld [smem:$0x3FB3]  }
0x2b: {  	s6 =	sld [smem:$0x3FB4]  }
0x2c: {  	s7 =	sld [smem:$0x3FB5]  }
0x2d: {  	s3 =	simm.s32 $0x108;
	s8 =	sld [smem:$0x3FB6]  }
0x2e: {  	s3 =	simm.s32 @!p0 $0x1082;
	s9 =	sld [smem:$0x3FB7]  }
0x2f: {  	lr =	sadd.s32 s0, s3;
	s0 =	sld [smem:$0x3FAE]  }
0x30: {  	s3 =	sld [smem:$0x3FB1]  }
0x31: {  	[smem:$0x3FBA] =	sst s10  }
0x32: {  	s10 =	sld [smem:$0x3FB8];
	_ =	sdelay $0x3  }
0x33: {  	p0 =	seq.s32 s10, $0x1;
	s10 =	sld [smem:$0x3FBA];
	_ =	sdelay $0x3  }
0x34: {  	[smem:$0x3FBA] =	sst s10  }
0x35: {  	s10 =	sld [smem:$0x3FB9];
	_ =	sdelay $0x3  }
0x36: {  	p1 =	seq.s32 s10, $0x1;
	s10 =	sld [smem:$0x3FBA];
	_ =	sdelay $0x3  }
0x37: {  	[smem:$0x3FBA] =	sst s10  }
0x38: {  	s10 =	sld [smem:$0x3FBB]  }
0x39: {  	_ = 	snop;
	(pc) =	sbr.ind lr, $3  }
0x3a: {  	_ = 	snop  }
0x3b: {  	_ = 	snop  }
0x3c: {  	p2 =	seq.s32 s10, $0x1;
	s10 =	sld [smem:$0x3FBA]  }
0x3d: {  	_ =	shalt  }
0x3e: {  	_ =	shalt  }
0x3f: {  	_ =	shalt  }
0x40: {  	_ =	shalt  }
0x41: {  	_ =	shalt  }
0x42: {  	_ =	shalt  }
0x43: {  	_ =	shalt  }
0x44: {  	_ =	shalt  }
0x45: {  	_ =	shalt  }
0x46: {  	_ =	shalt  }
0x47: {  	_ =	shalt  }
0x48: {  	_ =	shalt  }
0x49: {  	_ =	shalt  }
0x4a: {  	_ =	shalt  }
0x4b: {  	_ =	shalt  }
0x4c: {  	_ =	shalt  }
0x4d: {  	_ =	shalt  }
0x4e: {  	_ =	shalt  }
0x4f: {  	_ =	shalt  }
0x50: {  	_ =	shalt  }
0x51: {  	_ =	shalt  }
0x52: {  	_ =	shalt  }
0x53: {  	_ =	shalt  }
0x54: {  	_ =	shalt  }
0x55: {  	_ =	shalt  }
0x56: {  	_ =	shalt  }
0x57: {  	_ =	shalt  }
0x58: {  	_ =	shalt  }
0x59: {  	_ =	shalt  }
0x5a: {  	_ =	shalt  }
0x5b: {  	_ =	shalt  }
0x5c: {  	_ =	shalt  }
0x5d: {  	_ =	shalt  }
0x5e: {  	_ =	shalt  }
0x5f: {  	_ =	shalt  }
0x60: {  	_ =	shalt  }
0x61: {  	_ =	shalt  }
0x62: {  	_ =	shalt  }
0x63: {  	_ =	shalt  }
0x64: {  	_ =	shalt  }
0x65: {  	_ =	shalt  }
0x66: {  	_ =	shalt  }
0x67: {  	_ =	shalt  }
0x68: {  	_ =	shalt  }
0x69: {  	_ =	shalt  }
0x6a: {  	_ =	shalt  }
0x6b: {  	_ =	shalt  }
0x6c: {  	_ =	shalt  }
0x6d: {  	_ =	shalt  }
0x6e: {  	_ =	shalt  }
0x6f: {  	_ =	shalt  }
0x70: {  	_ =	shalt  }
0x71: {  	_ =	shalt  }
0x72: {  	_ =	shalt  }
0x73: {  	_ =	shalt  }
0x74: {  	_ =	shalt  }
0x75: {  	_ =	shalt  }
0x76: {  	_ =	shalt  }
0x77: {  	_ =	shalt  }
0x78: {  	_ =	shalt  }
0x79: {  	_ =	shalt  }
0x7a: {  	_ =	shalt  }
0x7b: {  	_ =	shalt  }
0x7c: {  	_ =	shalt  }
0x7d: {  	_ =	shalt  }
0x7e: {  	_ =	shalt  }
0x7f: {  	_ =	shalt  }
0x80: {  	_ =	shalt  }
0x81: {  	_ =	shalt  }
0x82: {  	_ =	shalt  }
0x83: {  	_ =	shalt  }
0x84: {  	_ =	shalt  }
0x85: {  	_ =	shalt  }
0x86: {  	_ =	shalt  }
0x87: {  	_ =	shalt  }
.Lfunc_end0:
.L_simem_size_0:
called_computation_lowered:
.L_overlay_start_0:
0x88: {  	s2 =	sld [smem:$0x3FD9]  }
0x89: {  	s3 =	sld [smem:$0x3FFE];
	_ =	sdelay $0x1  }
0x8a: {  	s1 =	srdreg.scid  }
0x8b: {  	s0 =	sand.u32 $0x1, s1  }
0x8c: {  	s17 =	sshll.u32 s0, $0xA;
	s2 =	sadd.s32 s3, s2  }
0x8d: {  	s2 =	sadd.s32 s2, s17  }
0x8e: {  	[smem:$0x3FC6] =	sst s2  }
0x8f: {  	_ = 	snop  }
0x90: {  	s2 =	sld [smem:$0x3FD0];
	(tm) =	ssettm $0x1  }
0x91: {  	s18 =	sld [smem:$0x3FFB];
	_ =	sdelay $0x3  }
0x92: {  	_ =	strace s18  }
0x93: {  	s3 =	sld [smem:$0x3FFC];
	_ =	sdelay $0x3  }
0x94: {  	_ =	strace s3  }
0x95: {  	s3 =	sld [smem:$0x3FFD];
	_ =	sdelay $0x3  }
0x96: {  	_ =	strace s3  }
0x97: {  	_ =	strace $0x8FFFFFFF  }
0x98: {  	s19 =	sld [smem:$0x3FDB];
	_ =	sdelay $0x1  }
0x99: {  	s4 =	simm.s32 $_scs_section_size  }
0x9a: {  	s5 =	simm.s32 $_size__tile_overlayer_lowered;
	s6 =	simm.s32 $_tile_overlayer_lowered  }
0x9b: {  	s22 =	simm.s32 $0x1BFF;
	s21 =	sshll.u32 s6, $0x1;
	s3 =	sadd.s32 s4, s19  }
0x9c: {  	s7 =	simm.s32 $0x0;
	s20 =	sshll.u32 s5, $0x1;
	s5 =	sadd.s32 s21, s3  }
0x9d: {  	[timem:s7], [sflag:s22] =	dma.local [hbm:s5], s20  }
0x9e: {  	_ =	swait.ge [sflag:s22], s20  }
0x9f: {  	s4 =	ssub.s32 $0x0, s20;
	[sflag:s22] =	ssyncset.done $0x0  }
0xa0: {  	[sflag:s22] =	ssyncadd.s32 s4;
	_ =	sdelay $0x1  }
0xa1: {  	s23 =	simm.s32 $0x1B8B  }
0xa2: {  	_ =	swait.ge [sflag:s23], $0x1  }
0xa3: {  	[sflag:s23] =	ssyncset.done $0x0  }
0xa4: {  	s25 =	simm.s32 $0x1B8E;
	s24 =	sld [smem:$0x3FFE];
	[sflag:s23] =	ssyncadd.s32 $0xFFFFFFFF  }
0xa5: {  	s26 =	simm.s32 $execute0_lowered;
	[smem:$0x3FD2] =	sst s25  }
0xa6: {  	s5 =	sshll.u32 s26, $0x1;
	_ =	strace $0x80000046;
	[dreg:$0x1] =	wrdreg $0xFFFFFFFF  }
0xa7: {  	s28 =	simm.s32 $_size_execute0_lowered;
	s3 =	sadd.s32 s3, s5;
	[dreg:$0x0] =	wrdreg $0x0  }
0xa8: {  	s5 =	sshll.u32 s28, $0x1;
	[dreg:$0x2] =	wrdreg s3  }
0xa9: {  	[dreg:$0x3] =	wrdreg s5  }
0xaa: {  	[dreg:$0x4] =	wrdreg $0xC0  }
0xab: {  	_ =	task [dreg:s7], $0x5FFFF  }
0xac: {  	[dreg:$0x1] =	wrdreg $0xFFFFFFFF  }
0xad: {  	[dreg:$0x0] =	wrdreg $0x60  }
0xae: {  	[dreg:$0x2] =	wrdreg s24  }
0xaf: {  	[dreg:$0x3] =	wrdreg s2  }
0xb0: {  	[dreg:$0x4] =	wrdreg $0x9  }
0xb1: {  	_ =	task.clear_ibuf [dreg:s7], $0x5FFFF;
	_ =	strace $0x90000046  }
0xb2: {  	s29 =	simm.s32 $0x9;
	_ =	strace $0x80000048  }
0xb3: {  	_ =	swait.ge [sflag:s29], $0x1  }
0xb4: {  	[sflag:s29] =	ssyncadd.s32 $0xFFFFFFFF  }
0xb5: {  	_ =	strace $0x90000048  }
0xb6: {  	_ =	sfence  }
0xb7: {  	s30 =	sld [smem:$0x0];
	_ =	sdelay $0x2  }
0xb8: {  	s31 =	sshll.u32 s1, $0xD;
	s1 =	sshrl.u32 s1, $0x2  }
0xb9: {  	s3 =	sand.u32 $0x4000, s31;
	s1 =	sadd.s32 s1, s30  }
0xba: {  	s0 =	sor.u32 s3, s0;
	s1 =	sshll.u32 s1, $0x11  }
0xbb: {  	s0 =	sor.u32 s1, s0  }
0xbc: {  	s0 =	sadd.s32 $0x8F2B, s0  }
0xbd: {  	[sflag:s0] =	ssyncadd.remote.s32 $0x1  }
0xbe: {  	_ =	sfence.sel $0xFFFF  }
0xbf: {  	[dreg:$0x0] =	wrdreg $0xFFFFFFFF;
	(pc) =	sbr.abs _section_cstart, $3  }
0xc0: {  	[dreg:$0x1] =	wrdreg $0xFFFFFFFF  }
0xc1: {  	_ =	task.clear_ibuf [dreg:s7], $0x2FFFF;
	_ =	strace $0x9FFFFFFF  }
0xc2: {  	(tm) =	ssettm $0x7FFFFFFF  }
0xc3: {  	_ =	shalt  }
tec
execute0_lowered:
.L_overlay_start_1:
0x0: {  	(tag) =	ssettag $0x1  }
0x1: {  	s0 =	rddreg [dreg:$0x0]  }
0x2: {  	s1 =	rddreg [dreg:$0x1];
	s3 =	simm.s32 $0x0  }
0x3: {  	s2 =	srdreg.scid;
	s8 =	stileid.u32;
	s28 =	simm.s32 $0x9900  }
0x4: {  	s30 =	simm.s32 $0xB900;
	s29 =	simm.s32 $0x13900;
	s31 =	simm.s32 $0x1  }
0x5: {  	[smem:$0x7FF] =	sst s3;
	s2 =	sand.u32 $0x1, s2;
	s3 =	sadd.s32 $0xF42A00, s0  }
0x6: {  	s4 =	sshll.u32 s8, $0x8;
	s21 =	smul.u32 $0xC8000, s8;
	_ =	strace $0x80000047  }
0x7: {  	s5 =	sshll.u32 s2, $0x7;
	s6 =	ssub.s32 $0x2, s2;
	s2 =	smul.u32 $0x64000, s2  }
0x8: {  	s5 =	sor.u32 s5, s4;
	s4 =	sadd.s32 $0x600, s0;
	s20 =	sshrl.u32 s6, $0x1  }
0x9: {  	s7 =	smul.u32 $0x190, s5;
	s5 =	sshrl.u32 s5, $0x3;
	s2 =	sadd.s32 s2, s21  }
0xa: {  	s0 =	ssub.s32 s6, s20;
	s1 =	sadd.s32 s1, s5;
	s9 =	sor.u32 $0x140, s2  }
0xb: {  	s6 =	sor.u32 $0x180, s2;
	s11 =	sor.u32 $0x1C0, s2;
	s14 =	sor.u32 $0x200, s2  }
0xc: {  	s16 =	sor.u32 $0x240, s2;
	s18 =	sor.u32 $0x100, s2;
	s20 =	sor.u32 $0xC0, s2  }
0xd: {  	[dreg:$0xd] =	wrdreg s1;
	s1 =	sadd.s32 s7, s4;
	s5 =	sshrl.u32 s9, $0x3  }
0xe: {  	s10 =	sshrl.u32 s6, $0x3;
	s12 =	sshrl.u32 s11, $0x3;
	[dreg:$0x3] =	wrdreg s5  }
0xf: {  	s15 =	sshrl.u32 s14, $0x3;
	s17 =	sshrl.u32 s16, $0x3;
	[dreg:$0x4] =	wrdreg s10  }
0x10: {  	s19 =	sshrl.u32 s18, $0x3;
	s21 =	sshrl.u32 s20, $0x3;
	[dreg:$0x5] =	wrdreg s12  }
0x11: {  	s16 =	smax.u32 s0, $0x1;
	s20 =	simm.s32 $0x1900;
	[dreg:$0x6] =	wrdreg s15  }
0x12: {  	s0 =	simm.s32 $0xD900;
	s18 =	simm.s32 $0xF900;
	[dreg:$0x7] =	wrdreg s17  }
0x13: {  	s6 =	simm.s32 $0x0;
	s22 =	sadd.s32 $0x140, s1;
	[dreg:$0x8] =	wrdreg s19  }
0x14: {  	s23 =	sadd.s32 $0x148, s1;
	s24 =	sadd.s32 $0x150, s1;
	[dreg:$0x9] =	wrdreg s21  }
0x15: {  	s25 =	sadd.s32 $0x158, s1;
	s26 =	sadd.s32 $0x160, s1;
	[dreg:$0xe] =	wrdreg s22  }
0x16: {  	s7 =	sadd.s32 $0x168, s1;
	s8 =	sadd.s32 $0x170, s1;
	[dreg:$0xf] =	wrdreg s23  }
0x17: {  	s13 =	sadd.s32 $0x178, s1;
	s14 =	sadd.s32 $0x180, s1;
	[dreg:$0x10] =	wrdreg s24  }
0x18: {  	s15 =	sadd.s32 $0x188, s1;
	s17 =	simm.s32 $0x80;
	[dreg:$0x11] =	wrdreg s25  }
0x19: {  	s19 =	simm.s32 $0x5;
	s21 =	simm.s32 $0x3900;
	[dreg:$0x12] =	wrdreg s26  }
0x1a: {  	s1 =	simm.s32 $0x40;
	s5 =	simm.s32 $0x4;
	[dreg:$0x13] =	wrdreg s7  }
0x1b: {  	[dreg:$0x14] =	wrdreg s8;
	s22 =	sor.u32 $0x80, s2;
	s24 =	sor.u32 $0x40, s2  }
0x1c: {  	s26 =	sshrl.u32 s2, $0x3;
	s2 =	simm.s32 $0x3;
	s23 =	sshrl.u32 s22, $0x3  }
0x1d: {  	s25 =	sshrl.u32 s24, $0x3;
	[dreg:$0xc] =	wrdreg s26;
	s24 =	simm.s32 $0x11900  }
0x1e: {  	s22 =	simm.s32 $0xC80;
	s26 =	simm.s32 $0x2;
	[dreg:$0xa] =	wrdreg s23  }
0x1f: {  	[dreg:$0xb] =	wrdreg s25;
	s23 =	simm.s32 $0x5900;
	s25 =	simm.s32 $0x7900  }
.LBB2_1:
0x20: {  	s7 =	simm.s32 $0x0;
	s8 =	rddreg [dreg:$0xd];
	s9 =	simm.s32 $0x1000  }
0x21: {  	[tilespmem:s7], [sflag:$0x5] =	stream.strided.gather [hbm4b:s8+s17], $0x1900, s9, s17, $0x38;
	[tilespmem:$0x15900] =	vst v63  }
0x22: {  	_ =	swait.ge [sflag:s19], $0x1900  }
0x23: {  	[sflag:s19] =	ssyncset.done $0x0  }
0x24: {  	[sflag:s19] =	ssyncadd.s32 $0xFFFFE700  }
0x25: {  	[tilespmem:s20], [sflag:$0x1] =	stream.indirect.gather [hbm4b:s3+s17], $0x40, s7, s17, $0xb8;
	[tilespmem:$0x15900] =	vst v63  }
0x26: {  	_ = 	snop  }
0x27: {  	[tilespmem:s21], [sflag:$0x1] =	stream.indirect.gather [hbm4b:s3+s17], $0x40, s17, s17, $0xb8;
	[tilespmem:$0x15900] =	vst v63  }
0x28: {  	s10 =	simm.s32 $0x100  }
0x29: {  	[tilespmem:s23], [sflag:$0x1] =	stream.indirect.gather [hbm4b:s3+s17], $0x40, s10, s17, $0xb8;
	[tilespmem:$0x15900] =	vst v63  }
0x2a: {  	s11 =	simm.s32 $0x180  }
0x2b: {  	[tilespmem:s25], [sflag:$0x1] =	stream.indirect.gather [hbm4b:s3+s17], $0x40, s11, s17, $0xb8;
	[tilespmem:$0x15900] =	vst v63  }
0x2c: {  	s12 =	simm.s32 $0x200  }
0x2d: {  	[tilespmem:s28], [sflag:$0x1] =	stream.indirect.gather [hbm4b:s3+s17], $0x40, s12, s17, $0xb8;
	[tilespmem:$0x15900] =	vst v63  }
0x2e: {  	s8 =	simm.s32 $0x280  }
0x2f: {  	[tilespmem:s30], [sflag:$0x2] =	stream.indirect.gather [hbm4b:s3+s17], $0x40, s8, s17, $0xb8;
	[tilespmem:$0x15900] =	vst v63  }
0x30: {  	s9 =	simm.s32 $0x300  }
0x31: {  	[tilespmem:s0], [sflag:$0x2] =	stream.indirect.gather [hbm4b:s3+s17], $0x40, s9, s17, $0xb8;
	[tilespmem:$0x15900] =	vst v63  }
0x32: {  	s10 =	simm.s32 $0x380  }
0x33: {  	[tilespmem:s18], [sflag:$0x2] =	stream.indirect.gather [hbm4b:s3+s17], $0x40, s10, s17, $0xb8;
	[tilespmem:$0x15900] =	vst v63  }
0x34: {  	s11 =	simm.s32 $0x400  }
0x35: {  	[tilespmem:s24], [sflag:$0x2] =	stream.indirect.gather [hbm4b:s3+s17], $0x40, s11, s17, $0xb8;
	[tilespmem:$0x15900] =	vst v63  }
0x36: {  	s12 =	simm.s32 $0x480  }
0x37: {  	[tilespmem:s29], [sflag:$0x2] =	stream.indirect.gather [hbm4b:s3+s17], $0x40, s12, s17, $0xb8;
	[tilespmem:$0x15900] =	vst v63  }
0x38: {  	_ =	swait.ge [sflag:s31], $0xA000  }
0x39: {  	s8 =	rddreg [dreg:$0xc];
	[sflag:s31] =	ssyncset.done $0x0  }
0x3a: {  	s9 =	rddreg [dreg:$0xb];
	[sflag:s31] =	ssyncadd.s32 $0xFFFF6000;
	s7 =	sadd.s32 s4, s8  }
0x3b: {  	[hbm4b:s7+s1] =	stream.strided.scatter [tilespmem:s20], [sflag:$0x3], $0x2000, s22, s1, $0x38;
	[tilespmem:$0x15900] =	vst v63  }
0x3c: {  	s10 =	rddreg [dreg:$0xa];
	s11 =	sadd.s32 s4, s9  }
0x3d: {  	[hbm4b:s11+s1] =	stream.strided.scatter [tilespmem:s21], [sflag:$0x3], $0x2000, s22, s1, $0x38;
	[tilespmem:$0x15900] =	vst v63  }
0x3e: {  	s12 =	rddreg [dreg:$0x9];
	s9 =	sadd.s32 s4, s10  }
0x3f: {  	[hbm4b:s9+s1] =	stream.strided.scatter [tilespmem:s23], [sflag:$0x3], $0x2000, s22, s1, $0x38;
	[tilespmem:$0x15900] =	vst v63  }
0x40: {  	s10 =	rddreg [dreg:$0x8];
	s11 =	sadd.s32 s4, s12  }
0x41: {  	[hbm4b:s11+s1] =	stream.strided.scatter [tilespmem:s25], [sflag:$0x3], $0x2000, s22, s1, $0x38;
	[tilespmem:$0x15900] =	vst v63  }
0x42: {  	s12 =	sadd.s32 s4, s10  }
0x43: {  	[hbm4b:s12+s1] =	stream.strided.scatter [tilespmem:s28], [sflag:$0x3], $0x2000, s22, s1, $0x38;
	[tilespmem:$0x15900] =	vst v63  }
0x44: {  	_ =	swait.ge [sflag:s26], $0xA000  }
0x45: {  	s8 =	rddreg [dreg:$0x3];
	[sflag:s26] =	ssyncset.done $0x0  }
0x46: {  	s9 =	rddreg [dreg:$0x4];
	[sflag:s26] =	ssyncadd.s32 $0xFFFF6000;
	s7 =	sadd.s32 s4, s8  }
0x47: {  	[hbm4b:s7+s1] =	stream.strided.scatter [tilespmem:s30], [sflag:$0x4], $0x2000, s22, s1, $0x38;
	[tilespmem:$0x15900] =	vst v63  }
0x48: {  	s10 =	rddreg [dreg:$0x5];
	s11 =	sadd.s32 s4, s9  }
0x49: {  	[hbm4b:s11+s1] =	stream.strided.scatter [tilespmem:s0], [sflag:$0x4], $0x2000, s22, s1, $0x38;
	[tilespmem:$0x15900] =	vst v63  }
0x4a: {  	s12 =	rddreg [dreg:$0x6];
	s10 =	sadd.s32 s4, s10  }
0x4b: {  	[hbm4b:s10+s1] =	stream.strided.scatter [tilespmem:s18], [sflag:$0x4], $0x2000, s22, s1, $0x38;
	[tilespmem:$0x15900] =	vst v63  }
0x4c: {  	s12 =	sadd.s32 s4, s12;
	s11 =	rddreg [dreg:$0x7]  }
0x4d: {  	[hbm4b:s12+s1] =	stream.strided.scatter [tilespmem:s24], [sflag:$0x4], $0x2000, s22, s1, $0x38;
	[tilespmem:$0x15900] =	vst v63  }
0x4e: {  	s8 =	sadd.s32 s4, s11  }
0x4f: {  	[hbm4b:s8+s1] =	stream.strided.scatter [tilespmem:s29], [sflag:$0x4], $0x2000, s22, s1, $0x38;
	[tilespmem:$0x15900] =	vst v63  }
0x50: {  	_ =	swait.ge [sflag:s2], $0x2000  }
0x51: {  	[sflag:s2] =	ssyncset.done $0x0  }
0x52: {  	[sflag:s2] =	ssyncadd.s32 $0xFFFFE000  }
0x53: {  	_ =	swait.ge [sflag:s2], $0x2000  }
0x54: {  	[sflag:s2] =	ssyncset.done $0x0  }
0x55: {  	[sflag:s2] =	ssyncadd.s32 $0xFFFFE000  }
0x56: {  	_ =	swait.ge [sflag:s2], $0x2000  }
0x57: {  	[sflag:s2] =	ssyncset.done $0x0  }
0x58: {  	[sflag:s2] =	ssyncadd.s32 $0xFFFFE000  }
0x59: {  	_ =	swait.ge [sflag:s2], $0x2000  }
0x5a: {  	[sflag:s2] =	ssyncset.done $0x0  }
0x5b: {  	[sflag:s2] =	ssyncadd.s32 $0xFFFFE000  }
0x5c: {  	_ =	swait.ge [sflag:s2], $0x2000  }
0x5d: {  	[sflag:s2] =	ssyncset.done $0x0  }
0x5e: {  	s9 =	simm.s32 $0x500;
	[sflag:s2] =	ssyncadd.s32 $0xFFFFE000  }
0x5f: {  	[tilespmem:s20], [sflag:$0x1] =	stream.indirect.gather [hbm4b:s3+s17], $0x40, s9, s17, $0xb8;
	[tilespmem:$0x15900] =	vst v63  }
0x60: {  	s10 =	simm.s32 $0x580  }
0x61: {  	[tilespmem:s21], [sflag:$0x1] =	stream.indirect.gather [hbm4b:s3+s17], $0x40, s10, s17, $0xb8;
	[tilespmem:$0x15900] =	vst v63  }
0x62: {  	s11 =	simm.s32 $0x600  }
0x63: {  	[tilespmem:s23], [sflag:$0x1] =	stream.indirect.gather [hbm4b:s3+s17], $0x40, s11, s17, $0xb8;
	[tilespmem:$0x15900] =	vst v63  }
0x64: {  	s12 =	simm.s32 $0x680  }
0x65: {  	[tilespmem:s25], [sflag:$0x1] =	stream.indirect.gather [hbm4b:s3+s17], $0x40, s12, s17, $0xb8;
	[tilespmem:$0x15900] =	vst v63  }
0x66: {  	s8 =	simm.s32 $0x700  }
0x67: {  	[tilespmem:s28], [sflag:$0x1] =	stream.indirect.gather [hbm4b:s3+s17], $0x40, s8, s17, $0xb8;
	[tilespmem:$0x15900] =	vst v63  }
0x68: {  	_ =	swait.ge [sflag:s5], $0x2000  }
0x69: {  	[sflag:s5] =	ssyncset.done $0x0  }
0x6a: {  	[sflag:s5] =	ssyncadd.s32 $0xFFFFE000  }
0x6b: {  	_ =	swait.ge [sflag:s5], $0x2000  }
0x6c: {  	[sflag:s5] =	ssyncset.done $0x0  }
0x6d: {  	[sflag:s5] =	ssyncadd.s32 $0xFFFFE000  }
0x6e: {  	_ =	swait.ge [sflag:s5], $0x2000  }
0x6f: {  	[sflag:s5] =	ssyncset.done $0x0  }
0x70: {  	[sflag:s5] =	ssyncadd.s32 $0xFFFFE000  }
0x71: {  	_ =	swait.ge [sflag:s5], $0x2000  }
0x72: {  	[sflag:s5] =	ssyncset.done $0x0  }
0x73: {  	[sflag:s5] =	ssyncadd.s32 $0xFFFFE000  }
0x74: {  	_ =	swait.ge [sflag:s5], $0x2000  }
0x75: {  	[sflag:s5] =	ssyncset.done $0x0  }
0x76: {  	s9 =	simm.s32 $0x780;
	[sflag:s5] =	ssyncadd.s32 $0xFFFFE000  }
0x77: {  	[tilespmem:s30], [sflag:$0x2] =	stream.indirect.gather [hbm4b:s3+s17], $0x40, s9, s17, $0xb8;
	[tilespmem:$0x15900] =	vst v63  }
0x78: {  	s10 =	simm.s32 $0x800  }
0x79: {  	[tilespmem:s0], [sflag:$0x2] =	stream.indirect.gather [hbm4b:s3+s17], $0x40, s10, s17, $0xb8;
	[tilespmem:$0x15900] =	vst v63  }
0x7a: {  	s7 =	simm.s32 $0x1400;
	s11 =	simm.s32 $0x880  }
0x7b: {  	[tilespmem:s18], [sflag:$0x2] =	stream.indirect.gather [hbm4b:s3+s17], $0x40, s11, s17, $0xb8;
	[tilespmem:$0x15900] =	vst v63  }
0x7c: {  	s12 =	simm.s32 $0x900;
	s8 =	sadd.s32 $0x50, s4;
	s9 =	simm.s32 $0x980  }
0x7d: {  	[tilespmem:s24], [sflag:$0x2] =	stream.indirect.gather [hbm4b:s3+s17], $0x40, s12, s17, $0xb8;
	[tilespmem:$0x15900] =	vst v63  }
.LBB2_2:
0x7e: {  	[tilespmem:s29], [sflag:$0x2] =	stream.indirect.gather [hbm4b:s3+s17], $0x40, s9, s17, $0xb8;
	[tilespmem:$0x15900] =	vst v63  }
0x7f: {  	_ =	swait.ge [sflag:s31], $0xA000  }
0x80: {  	s10 =	rddreg [dreg:$0xc];
	[sflag:s31] =	ssyncset.done $0x0  }
0x81: {  	s11 =	rddreg [dreg:$0xb];
	[sflag:s31] =	ssyncadd.s32 $0xFFFF6000;
	s10 =	sadd.s32 s8, s10  }
0x82: {  	[hbm4b:s10+s1] =	stream.strided.scatter [tilespmem:s20], [sflag:$0x3], $0x2000, s22, s1, $0x38;
	[tilespmem:$0x15900] =	vst v63  }
0x83: {  	s12 =	rddreg [dreg:$0xa];
	s10 =	sadd.s32 s8, s11  }
0x84: {  	[hbm4b:s10+s1] =	stream.strided.scatter [tilespmem:s21], [sflag:$0x3], $0x2000, s22, s1, $0x38;
	[tilespmem:$0x15900] =	vst v63  }
0x85: {  	s11 =	rddreg [dreg:$0x9];
	s10 =	sadd.s32 s8, s12  }
0x86: {  	[hbm4b:s10+s1] =	stream.strided.scatter [tilespmem:s23], [sflag:$0x3], $0x2000, s22, s1, $0x38;
	[tilespmem:$0x15900] =	vst v63  }
0x87: {  	s11 =	sadd.s32 s8, s11;
	s12 =	rddreg [dreg:$0x8]  }
0x88: {  	[hbm4b:s11+s1] =	stream.strided.scatter [tilespmem:s25], [sflag:$0x3], $0x2000, s22, s1, $0x38;
	[tilespmem:$0x15900] =	vst v63  }
0x89: {  	s11 =	sadd.s32 s8, s12  }
0x8a: {  	[hbm4b:s11+s1] =	stream.strided.scatter [tilespmem:s28], [sflag:$0x3], $0x2000, s22, s1, $0x38;
	[tilespmem:$0x15900] =	vst v63  }
0x8b: {  	_ =	swait.ge [sflag:s26], $0xA000  }
0x8c: {  	s12 =	rddreg [dreg:$0x3];
	[sflag:s26] =	ssyncset.done $0x0  }
0x8d: {  	s11 =	rddreg [dreg:$0x4];
	[sflag:s26] =	ssyncadd.s32 $0xFFFF6000;
	s10 =	sadd.s32 s8, s12  }
0x8e: {  	[hbm4b:s10+s1] =	stream.strided.scatter [tilespmem:s30], [sflag:$0x4], $0x2000, s22, s1, $0x38;
	[tilespmem:$0x15900] =	vst v63  }
0x8f: {  	s12 =	rddreg [dreg:$0x5];
	s10 =	sadd.s32 s8, s11  }
0x90: {  	[hbm4b:s10+s1] =	stream.strided.scatter [tilespmem:s0], [sflag:$0x4], $0x2000, s22, s1, $0x38;
	[tilespmem:$0x15900] =	vst v63  }
0x91: {  	s11 =	rddreg [dreg:$0x6];
	s10 =	sadd.s32 s8, s12  }
0x92: {  	[hbm4b:s10+s1] =	stream.strided.scatter [tilespmem:s18], [sflag:$0x4], $0x2000, s22, s1, $0x38;
	[tilespmem:$0x15900] =	vst v63  }
0x93: {  	s11 =	sadd.s32 s8, s11;
	s12 =	rddreg [dreg:$0x7]  }
0x94: {  	[hbm4b:s11+s1] =	stream.strided.scatter [tilespmem:s24], [sflag:$0x4], $0x2000, s22, s1, $0x38;
	[tilespmem:$0x15900] =	vst v63  }
0x95: {  	s11 =	sadd.s32 s8, s12  }
0x96: {  	[hbm4b:s11+s1] =	stream.strided.scatter [tilespmem:s29], [sflag:$0x4], $0x2000, s22, s1, $0x38;
	[tilespmem:$0x15900] =	vst v63  }
0x97: {  	_ =	swait.ge [sflag:s2], $0x2000  }
0x98: {  	[sflag:s2] =	ssyncset.done $0x0  }
0x99: {  	[sflag:s2] =	ssyncadd.s32 $0xFFFFE000  }
0x9a: {  	_ =	swait.ge [sflag:s2], $0x2000  }
0x9b: {  	[sflag:s2] =	ssyncset.done $0x0  }
0x9c: {  	[sflag:s2] =	ssyncadd.s32 $0xFFFFE000  }
0x9d: {  	_ =	swait.ge [sflag:s2], $0x2000  }
0x9e: {  	[sflag:s2] =	ssyncset.done $0x0  }
0x9f: {  	[sflag:s2] =	ssyncadd.s32 $0xFFFFE000  }
0xa0: {  	_ =	swait.ge [sflag:s2], $0x2000  }
0xa1: {  	[sflag:s2] =	ssyncset.done $0x0  }
0xa2: {  	[sflag:s2] =	ssyncadd.s32 $0xFFFFE000  }
0xa3: {  	s9 =	smov.u32 s7;
	_ =	swait.ge [sflag:s2], $0x2000  }
0xa4: {  	s9 =	sshra.s32 s9, $0x2;
	[sflag:s2] =	ssyncset.done $0x0  }
0xa5: {  	s12 =	sadd.s32 $0x500, s9;
	[sflag:s2] =	ssyncadd.s32 $0xFFFFE000  }
0xa6: {  	[tilespmem:s20], [sflag:$0x1] =	stream.indirect.gather [hbm4b:s3+s17], $0x40, s12, s17, $0xb8;
	[tilespmem:$0x15900] =	vst v63  }
0xa7: {  	s11 =	sadd.s32 $0x580, s9  }
0xa8: {  	[tilespmem:s21], [sflag:$0x1] =	stream.indirect.gather [hbm4b:s3+s17], $0x40, s11, s17, $0xb8;
	[tilespmem:$0x15900] =	vst v63  }
0xa9: {  	s12 =	sadd.s32 $0x600, s9  }
0xaa: {  	[tilespmem:s23], [sflag:$0x1] =	stream.indirect.gather [hbm4b:s3+s17], $0x40, s12, s17, $0xb8;
	[tilespmem:$0x15900] =	vst v63  }
0xab: {  	s11 =	sadd.s32 $0x680, s9  }
0xac: {  	[tilespmem:s25], [sflag:$0x1] =	stream.indirect.gather [hbm4b:s3+s17], $0x40, s11, s17, $0xb8;
	[tilespmem:$0x15900] =	vst v63  }
0xad: {  	s12 =	sadd.s32 $0x700, s9  }
0xae: {  	[tilespmem:s28], [sflag:$0x1] =	stream.indirect.gather [hbm4b:s3+s17], $0x40, s12, s17, $0xb8;
	[tilespmem:$0x15900] =	vst v63  }
0xaf: {  	_ =	swait.ge [sflag:s5], $0x2000  }
0xb0: {  	[sflag:s5] =	ssyncset.done $0x0  }
0xb1: {  	[sflag:s5] =	ssyncadd.s32 $0xFFFFE000  }
0xb2: {  	_ =	swait.ge [sflag:s5], $0x2000  }
0xb3: {  	[sflag:s5] =	ssyncset.done $0x0  }
0xb4: {  	[sflag:s5] =	ssyncadd.s32 $0xFFFFE000  }
0xb5: {  	_ =	swait.ge [sflag:s5], $0x2000  }
0xb6: {  	[sflag:s5] =	ssyncset.done $0x0  }
0xb7: {  	[sflag:s5] =	ssyncadd.s32 $0xFFFFE000  }
0xb8: {  	_ =	swait.ge [sflag:s5], $0x2000  }
0xb9: {  	[sflag:s5] =	ssyncset.done $0x0  }
0xba: {  	[sflag:s5] =	ssyncadd.s32 $0xFFFFE000  }
0xbb: {  	_ =	swait.ge [sflag:s5], $0x2000  }
0xbc: {  	[sflag:s5] =	ssyncset.done $0x0  }
0xbd: {  	s11 =	sadd.s32 $0x780, s9;
	[sflag:s5] =	ssyncadd.s32 $0xFFFFE000  }
0xbe: {  	[tilespmem:s30], [sflag:$0x2] =	stream.indirect.gather [hbm4b:s3+s17], $0x40, s11, s17, $0xb8;
	[tilespmem:$0x15900] =	vst v63  }
0xbf: {  	p0 =	sne.s32 s7, $0x3C00;
	s12 =	sadd.s32 $0x800, s9  }
0xc0: {  	[tilespmem:s0], [sflag:$0x2] =	stream.indirect.gather [hbm4b:s3+s17], $0x40, s12, s17, $0xb8;
	[tilespmem:$0x15900] =	vst v63  }
.Ltmp0:
0xc1: {  	_ = 	snop;
	(pc) =	sbr.rel @p0 .LBB2_2-.Ltmp0, $4  }
0xc2: {  	s7 =	sadd.s32 $0x1400, s7;
	s11 =	sadd.s32 $0x880, s9  }
0xc3: {  	[tilespmem:s18], [sflag:$0x2] =	stream.indirect.gather [hbm4b:s3+s17], $0x40, s11, s17, $0xb8;
	[tilespmem:$0x15900] =	vst v63  }
0xc4: {  	s8 =	sadd.s32 $0x50, s8;
	s12 =	sadd.s32 $0x900, s9;
	s9 =	sadd.s32 $0x980, s9  }
0xc5: {  	[tilespmem:s24], [sflag:$0x2] =	stream.indirect.gather [hbm4b:s3+s17], $0x40, s12, s17, $0xb8;
	[tilespmem:$0x15900] =	vst v63  }
0xc6: {  	[tilespmem:s29], [sflag:$0x2] =	stream.indirect.gather [hbm4b:s3+s17], $0x40, s9, s17, $0xb8;
	[tilespmem:$0x15900] =	vst v63  }
0xc7: {  	_ =	swait.ge [sflag:s31], $0xA000  }
0xc8: {  	[sflag:s31] =	ssyncset.done $0x0  }
0xc9: {  	s7 =	rddreg [dreg:$0xe];
	[sflag:s31] =	ssyncadd.s32 $0xFFFF6000  }
0xca: {  	[hbm4b:s7+s1] =	stream.strided.scatter [tilespmem:s20], [sflag:$0x3], $0x2000, s22, s1, $0x38;
	[tilespmem:$0x15900] =	vst v63  }
0xcb: {  	s12 =	rddreg [dreg:$0xf]  }
0xcc: {  	[hbm4b:s12+s1] =	stream.strided.scatter [tilespmem:s21], [sflag:$0x3], $0x2000, s22, s1, $0x38;
	[tilespmem:$0x15900] =	vst v63  }
0xcd: {  	s8 =	rddreg [dreg:$0x10]  }
0xce: {  	[hbm4b:s8+s1] =	stream.strided.scatter [tilespmem:s23], [sflag:$0x3], $0x2000, s22, s1, $0x38;
	[tilespmem:$0x15900] =	vst v63  }
0xcf: {  	s9 =	rddreg [dreg:$0x11]  }
0xd0: {  	[hbm4b:s9+s1] =	stream.strided.scatter [tilespmem:s25], [sflag:$0x3], $0x2000, s22, s1, $0x38;
	[tilespmem:$0x15900] =	vst v63  }
0xd1: {  	s10 =	rddreg [dreg:$0x12]  }
0xd2: {  	[hbm4b:s10+s1] =	stream.strided.scatter [tilespmem:s28], [sflag:$0x3], $0x2000, s22, s1, $0x38;
	[tilespmem:$0x15900] =	vst v63  }
0xd3: {  	_ =	swait.ge [sflag:s26], $0xA000  }
0xd4: {  	[sflag:s26] =	ssyncset.done $0x0  }
0xd5: {  	s11 =	rddreg [dreg:$0x13];
	[sflag:s26] =	ssyncadd.s32 $0xFFFF6000  }
0xd6: {  	[hbm4b:s11+s1] =	stream.strided.scatter [tilespmem:s30], [sflag:$0x4], $0x2000, s22, s1, $0x38;
	[tilespmem:$0x15900] =	vst v63  }
0xd7: {  	s12 =	rddreg [dreg:$0x14]  }
0xd8: {  	[hbm4b:s12+s1] =	stream.strided.scatter [tilespmem:s0], [sflag:$0x4], $0x2000, s22, s1, $0x38;
	[tilespmem:$0x15900] =	vst v63  }
0xd9: {  	_ = 	snop  }
0xda: {  	[hbm4b:s13+s1] =	stream.strided.scatter [tilespmem:s18], [sflag:$0x4], $0x2000, s22, s1, $0x38;
	[tilespmem:$0x15900] =	vst v63  }
0xdb: {  	_ = 	snop  }
0xdc: {  	[hbm4b:s14+s1] =	stream.strided.scatter [tilespmem:s24], [sflag:$0x4], $0x2000, s22, s1, $0x38;
	[tilespmem:$0x15900] =	vst v63  }
0xdd: {  	_ = 	snop  }
0xde: {  	[hbm4b:s15+s1] =	stream.strided.scatter [tilespmem:s29], [sflag:$0x4], $0x2000, s22, s1, $0x38;
	[tilespmem:$0x15900] =	vst v63  }
0xdf: {  	_ =	swait.ge [sflag:s2], $0x2000  }
0xe0: {  	[sflag:s2] =	ssyncset.done $0x0  }
0xe1: {  	[sflag:s2] =	ssyncadd.s32 $0xFFFFE000  }
0xe2: {  	_ =	swait.ge [sflag:s2], $0x2000  }
0xe3: {  	[sflag:s2] =	ssyncset.done $0x0  }
0xe4: {  	[sflag:s2] =	ssyncadd.s32 $0xFFFFE000  }
0xe5: {  	_ =	swait.ge [sflag:s2], $0x2000  }
0xe6: {  	[sflag:s2] =	ssyncset.done $0x0  }
0xe7: {  	[sflag:s2] =	ssyncadd.s32 $0xFFFFE000  }
0xe8: {  	_ =	swait.ge [sflag:s2], $0x2000  }
0xe9: {  	[sflag:s2] =	ssyncset.done $0x0  }
0xea: {  	[sflag:s2] =	ssyncadd.s32 $0xFFFFE000  }
0xeb: {  	_ =	swait.ge [sflag:s2], $0x2000  }
0xec: {  	[sflag:s2] =	ssyncset.done $0x0  }
0xed: {  	[sflag:s2] =	ssyncadd.s32 $0xFFFFE000  }
0xee: {  	_ =	swait.ge [sflag:s5], $0x2000  }
0xef: {  	[sflag:s5] =	ssyncset.done $0x0  }
0xf0: {  	[sflag:s5] =	ssyncadd.s32 $0xFFFFE000  }
0xf1: {  	_ =	swait.ge [sflag:s5], $0x2000  }
0xf2: {  	[sflag:s5] =	ssyncset.done $0x0  }
0xf3: {  	[sflag:s5] =	ssyncadd.s32 $0xFFFFE000  }
0xf4: {  	_ =	swait.ge [sflag:s5], $0x2000  }
0xf5: {  	[sflag:s5] =	ssyncset.done $0x0  }
0xf6: {  	s6 =	sadd.s32 $0x1, s6;
	[sflag:s5] =	ssyncadd.s32 $0xFFFFE000  }
0xf7: {  	p0 =	sne.s32 s6, s16;
	_ =	swait.ge [sflag:s5], $0x2000  }
.Ltmp1:
0xf8: {  	[sflag:s5] =	ssyncset.done $0x0;
	(pc) =	sbr.rel @p0 .LBB2_1-.Ltmp1, $4  }
0xf9: {  	[sflag:s5] =	ssyncadd.s32 $0xFFFFE000  }
0xfa: {  	_ =	swait.ge [sflag:s5], $0x2000  }
0xfb: {  	[sflag:s5] =	ssyncset.done $0x0  }
0xfc: {  	[sflag:s5] =	ssyncadd.s32 $0xFFFFE000  }
0xfd: {  	_ =	sfence.sel $0x180000  }
0xfe: {  	[bflag:$0x0] =	sbarrier.arrive $0xFFFF  }
0xff: {  	_ =	strace $0x90000047  }
0x100: {  	s0 =	stileid.u32;
	[bflag:$0x2] =	sbarrier.arrive $0xFFFF  }
0x101: {  	p0 =	sne.s32 s0, $0x0;
	s0 =	rddreg [dreg:$0x2]  }
0x102: {  	s0 =	sadd.s32 @!p0 $0x100000, s0  }
0x103: {  	[sflag:s0] =	ssyncadd.tile.s32 @!p0 $0x1;
	_ =	shalt  }
.Lfunc_end2:
_tile_overlayer_lowered:
.L_overlay_start_2:
0x104: {  	(tag) =	ssettag $0x2  }
0x105: {  	s0 =	rddreg [dreg:$0x0];
	s2 =	stileid.u32  }
0x106: {  	s1 =	rddreg [dreg:$0x1];
	p0 =	sne.s32 s2, $0x0  }
0x107: {  	s3 =	rddreg [dreg:$0x2];
	[bflag:$0x3] =	sbarrier.arrive $0xFFFF;
	s2 =	simm.s32 @!p0 $0x1C05  }
0x108: {  	[timem:s3], [sflag:s2] =	dma.local @!p0 [hbm:s0], s1  }
0x109: {  	s0 =	simm.s32 @!p0 $0x5  }
0x10a: {  	_ =	swait.ge @!p0 [sflag:s0], s1  }
0x10b: {  	s1 =	ssub.s32 @!p0 $0x0, s1;
	[sflag:s0] =	ssyncset.done @!p0 $0x0  }
0x10c: {  	[sflag:s0] =	ssyncadd.s32 @!p0 s1  }
0x10d: {  	[bflag:$0x3] =	sbarrier.arrive $0xFFFF  }
0x10e: {  	_ =	shalt  }

</sc_bundles>
